<compile_context>
chip_gen: v7x
topology: tpu7x:2x2x1
jax: 0.10.2.dev20260603
libtpu: 0.0.44.dev20260713+nightly
codegen_flags: <defaults>
</compile_context>

<pallas_src>
import functools

import jax
import jax.numpy as jnp
from jax import lax
from jax.experimental import pallas as pl
from jax.experimental.pallas import tpu as pltpu
from jax.experimental.pallas import tpu_sc as plsc

_B = 16384
_C = 1000
_NW = 32
_BPW = _B // _NW
_CROWS = 80
_NCHUNK = -(-_C // _CROWS)
_L = 16
_TAB = 128

_mesh = plsc.VectorSubcoreMesh(core_axis_name="c", subcore_axis_name="s")


@functools.partial(
    pl.kernel,
    out_type=jax.ShapeDtypeStruct((_C, _B), jnp.float32),
    mesh=_mesh,
    scratch_types=[
        pltpu.VMEM((_BPW,), jnp.int32),
        pltpu.VMEM((_TAB,), jnp.int32),
        pltpu.VMEM((_CROWS, _BPW), jnp.float32),
        pltpu.VMEM((_CROWS, _BPW), jnp.float32),
        pltpu.SemaphoreType.DMA,
        pltpu.SemaphoreType.DMA,
    ],
    compiler_params=pltpu.CompilerParams(
        needs_layout_passes=False, use_tc_tiling_on_sc=True
    ),
)
def _onehot_sc(cond_hbm, tab_hbm, out_hbm, cond_v, tab_v, buf0, buf1, sem0, sem1):
    wid = lax.axis_index("s") * 2 + lax.axis_index("c")
    base = wid * _BPW

    pltpu.sync_copy(cond_hbm.at[pl.ds(base, _BPW)], cond_v)
    pltpu.sync_copy(tab_hbm, tab_v)

    zeros = jnp.zeros((_L,), jnp.float32)
    ones = jnp.ones((_L,), jnp.float32)
    iota = lax.iota(jnp.int32, _L)

    def _zero_buf(buf):
        def body(r, _):
            for s in range(_BPW // _L):
                buf[r, pl.ds(s * _L, _L)] = zeros
            return 0

        lax.fori_loop(0, _CROWS, body, 0)

    bufs = (buf0, buf1)
    sems = (sem0, sem1)
    copies = [None, None]

    def _scatter_chunk(t, buf, val):
        c0 = t * _CROWS
        rows = min(_C - c0, _CROWS)

        def body(j, _):
            cond16 = cond_v[pl.ds(j * _L, _L)]
            code16 = plsc.load_gather(tab_v, [cond16])
            crow16 = code16 - c0
            mask = (crow16 >= 0) & (crow16 < rows)
            crow16 = jnp.where(mask, crow16, 0)
            plsc.store_scatter(buf, [crow16, iota + j * _L], val, mask=mask)
            return 0

        lax.fori_loop(0, _BPW // _L, body, 0)

    for t in range(_NCHUNK):
        b = t % 2
        buf = bufs[b]
        if t < 2:
            _zero_buf(buf)
        else:
            copies[b].wait()
            _scatter_chunk(t - 2, buf, zeros)
        _scatter_chunk(t, buf, ones)
        rows = min(_C - t * _CROWS, _CROWS)
        dst = out_hbm.at[pl.ds(t * _CROWS, rows), pl.ds(base, _BPW)]
        copies[b] = pltpu.async_copy(buf.at[pl.ds(0, rows)], dst, sems[b])

    copies[0].wait()
    copies[1].wait()


def kernel(condition, celltype_codes):
    tab = jnp.zeros((_TAB,), jnp.int32).at[: celltype_codes.shape[0]].set(
        celltype_codes
    )
    return _onehot_sc(condition, tab).T

# --- scband reference (transcript-rebuilt; emitter-appended) ---
"""Pipeline reference for scband-condition2-tensor-89979564852094 (READ-ONLY COPY).

The authoritative reference and input builder live on the scoring server;
editing this copy changes nothing except your own understanding.
"""

import jax, jax.numpy as jnp
import numpy as np

NUM_CONDITIONS = 1000
NUM_CELLTYPES = 100
BATCH = 16384


def setup_inputs(seed: int = 0) -> dict:
    key = jax.random.key(seed)
    # condition indices into the celltype_codes lookup table
    condition = jax.random.randint(key, (BATCH,), 0, NUM_CELLTYPES, dtype=jnp.int32)
    # celltype_codes: lookup table (init arg in the torch module), values < num_conditions
    celltype_codes = jnp.arange(NUM_CELLTYPES, dtype=jnp.int32) * 10
    return {"condition": condition, "celltype_codes": celltype_codes}


def reference(condition, celltype_codes):
    # code = self.celltype_codes[condition]
    code = jnp.take(celltype_codes, condition, axis=0)
    # code = F.one_hot(code, num_classes=self.num_conditions); code.float()
    out = jax.nn.one_hot(code, NUM_CONDITIONS, dtype=jnp.float32)
    return out

if __name__ == "__main__":
    import jax
    _d = setup_inputs()
    print(jax.jit(kernel)(*tuple(_d.values())))

</pallas_src>

<mosaic_0001>
#map = affine_map<(d0, d1) -> (0)>
#map1 = affine_map<(d0, d1) -> (0, 0)>
module attributes {stable_mosaic.version = 14 : i64} {
  func.func @_onehot_sc(%arg0: i32, %arg1: i32, %arg2: memref<16384xi32, #tpu.memory_space<hbm>>, %arg3: memref<128xi32, #tpu.memory_space<hbm>>, %arg4: memref<1000x16384xf32, #tpu.memory_space<hbm>>, %arg5: memref<512xi32, #tpu.memory_space<vmem>>, %arg6: memref<128xi32, #tpu.memory_space<vmem>>, %arg7: memref<80x512xf32, #tpu.memory_space<vmem>>, %arg8: memref<80x512xf32, #tpu.memory_space<vmem>>, %arg9: memref<!tpu.dma_semaphore, #tpu.memory_space<semaphore_mem>>, %arg10: memref<!tpu.dma_semaphore, #tpu.memory_space<semaphore_mem>>) attributes {dimension_semantics = [#tpu.dimension_semantics<core_parallel>, #tpu.dimension_semantics<subcore_parallel>], iteration_bounds = array<i64: 2, 16>, scalar_prefetch = 0 : i64, scratch_operands = 6 : i64, tpu.core_type = #tpu.core_type<sc_vector_subcore>, window_params = [{transform_indices = #map}, {transform_indices = #map}, {transform_indices = #map1}]} {
    %mul3A = arith.constant 2 : i32
    %mul3A_0 = arith.muli %arg1, %mul3A : i32
    %add3A = arith.addi %mul3A_0, %arg0 : i32
    %mul3A_1 = arith.constant 512 : i32
    %mul3A_2 = arith.muli %add3A, %mul3A_1 : i32
    "tpu.region"() ({
      %run_scoped3A = tpu.sem_alloc : memref<!tpu.dma_semaphore, #tpu.memory_space<semaphore_mem>>
      %dma_start3A_445 = tpu.memref_slice %arg2[%mul3A_2] : memref<16384xi32, #tpu.memory_space<hbm>> -> memref<512xi32, #tpu.memory_space<hbm>>
      %dma_start3A_446 = tpu.memref_slice %arg2[%mul3A_2] : memref<16384xi32, #tpu.memory_space<hbm>> -> memref<512xi32, #tpu.memory_space<hbm>>
      tpu.enqueue_dma source(%dma_start3A_446 : memref<512xi32, #tpu.memory_space<hbm>>) target(%arg5 : memref<512xi32, #tpu.memory_space<vmem>>) target_semaphore(%run_scoped3A : memref<!tpu.dma_semaphore, #tpu.memory_space<semaphore_mem>>)
      %dma_wait3A_447 = tpu.memref_slice %arg2[%mul3A_2] : memref<16384xi32, #tpu.memory_space<hbm>> -> memref<512xi32, #tpu.memory_space<hbm>>
      %dma_wait3A_448 = tpu.memref_slice %arg2[%mul3A_2] : memref<16384xi32, #tpu.memory_space<hbm>> -> memref<512xi32, #tpu.memory_space<hbm>>
      tpu.wait_dma2 semaphore(%run_scoped3A : memref<!tpu.dma_semaphore, #tpu.memory_space<semaphore_mem>>) src(%dma_wait3A_448 : memref<512xi32, #tpu.memory_space<hbm>>) dst(%arg5 : memref<512xi32, #tpu.memory_space<vmem>>)
      tpu.yield
    }) : () -> ()
    "tpu.region"() ({
      %run_scoped3A = tpu.sem_alloc : memref<!tpu.dma_semaphore, #tpu.memory_space<semaphore_mem>>
      tpu.enqueue_dma source(%arg3 : memref<128xi32, #tpu.memory_space<hbm>>) target(%arg6 : memref<128xi32, #tpu.memory_space<vmem>>) target_semaphore(%run_scoped3A : memref<!tpu.dma_semaphore, #tpu.memory_space<semaphore_mem>>)
      tpu.wait_dma2 semaphore(%run_scoped3A : memref<!tpu.dma_semaphore, #tpu.memory_space<semaphore_mem>>) src(%arg3 : memref<128xi32, #tpu.memory_space<hbm>>) dst(%arg6 : memref<128xi32, #tpu.memory_space<vmem>>)
      tpu.yield
    }) : () -> ()
    %broadcast_in_dim3A = arith.constant 0.000000e+00 : f32
    %broadcast_in_dim3A_3 = vector.broadcast %broadcast_in_dim3A : f32 to vector<16xf32>
    %broadcast_in_dim3A_4 = arith.constant 1.000000e+00 : f32
    %broadcast_in_dim3A_5 = vector.broadcast %broadcast_in_dim3A_4 : f32 to vector<16xf32>
    %iota3A = tpu.iota {dimensions = array<i32: 0>} : vector<16xi32>
    %scan3A = arith.constant 0 : i32
    %scan3A_6 = arith.constant 0 : i32
    %scan3A_7 = arith.constant 80 : i32
    %scan3A_8 = arith.addi %scan3A_6, %scan3A_7 : i32
    %scan3A_9 = arith.constant 1 : i32
    %scan3A_10 = scf.for %scan3A_445 = %scan3A_6 to %scan3A_8 step %scan3A_9 iter_args(%scan3A_446 = %scan3A) -> (i32)  : i32 {
      %swap3A = arith.index_cast %scan3A_445 : i32 to index
      %swap3A_447 = arith.constant 0 : index
      %swap3A_448 = tpu.vector_load %arg7[%swap3A, %swap3A_447] {strides = array<i32>} : memref<80x512xf32, #tpu.memory_space<vmem>>, vector<16xf32>,
      tpu.vector_store %arg7[%swap3A, %swap3A_447], %broadcast_in_dim3A_3 {strides = array<i32>} : memref<80x512xf32, #tpu.memory_space<vmem>>, vector<16xf32>,
      %swap3A_449 = arith.index_cast %scan3A_445 : i32 to index
      %swap3A_450 = arith.constant 16 : index
      %swap3A_451 = tpu.vector_load %arg7[%swap3A_449, %swap3A_450] {strides = array<i32>} : memref<80x512xf32, #tpu.memory_space<vmem>>, vector<16xf32>,
      tpu.vector_store %arg7[%swap3A_449, %swap3A_450], %broadcast_in_dim3A_3 {strides = array<i32>} : memref<80x512xf32, #tpu.memory_space<vmem>>, vector<16xf32>,
      %swap3A_452 = arith.index_cast %scan3A_445 : i32 to index
      %swap3A_453 = arith.constant 32 : index
      %swap3A_454 = tpu.vector_load %arg7[%swap3A_452, %swap3A_453] {strides = array<i32>} : memref<80x512xf32, #tpu.memory_space<vmem>>, vector<16xf32>,
      tpu.vector_store %arg7[%swap3A_452, %swap3A_453], %broadcast_in_dim3A_3 {strides = array<i32>} : memref<80x512xf32, #tpu.memory_space<vmem>>, vector<16xf32>,
      %swap3A_455 = arith.index_cast %scan3A_445 : i32 to index
      %swap3A_456 = arith.constant 48 : index
      %swap3A_457 = tpu.vector_load %arg7[%swap3A_455, %swap3A_456] {strides = array<i32>} : memref<80x512xf32, #tpu.memory_space<vmem>>, vector<16xf32>,
      tpu.vector_store %arg7[%swap3A_455, %swap3A_456], %broadcast_in_dim3A_3 {strides = array<i32>} : memref<80x512xf32, #tpu.memory_space<vmem>>, vector<16xf32>,
      %swap3A_458 = arith.index_cast %scan3A_445 : i32 to index
      %swap3A_459 = arith.constant 64 : index
      %swap3A_460 = tpu.vector_load %arg7[%swap3A_458, %swap3A_459] {strides = array<i32>} : memref<80x512xf32, #tpu.memory_space<vmem>>, vector<16xf32>,
      tpu.vector_store %arg7[%swap3A_458, %swap3A_459], %broadcast_in_dim3A_3 {strides = array<i32>} : memref<80x512xf32, #tpu.memory_space<vmem>>, vector<16xf32>,
      %swap3A_461 = arith.index_cast %scan3A_445 : i32 to index
      %swap3A_462 = arith.constant 80 : index
      %swap3A_463 = tpu.vector_load %arg7[%swap3A_461, %swap3A_462] {strides = array<i32>} : memref<80x512xf32, #tpu.memory_space<vmem>>, vector<16xf32>,
      tpu.vector_store %arg7[%swap3A_461, %swap3A_462], %broadcast_in_dim3A_3 {strides = array<i32>} : memref<80x512xf32, #tpu.memory_space<vmem>>, vector<16xf32>,
      %swap3A_464 = arith.index_cast %scan3A_445 : i32 to index
      %swap3A_465 = arith.constant 96 : index
      %swap3A_466 = tpu.vector_load %arg7[%swap3A_464, %swap3A_465] {strides = array<i32>} : memref<80x512xf32, #tpu.memory_space<vmem>>, vector<16xf32>,
      tpu.vector_store %arg7[%swap3A_464, %swap3A_465], %broadcast_in_dim3A_3 {strides = array<i32>} : memref<80x512xf32, #tpu.memory_space<vmem>>, vector<16xf32>,
      %swap3A_467 = arith.index_cast %scan3A_445 : i32 to index
      %swap3A_468 = arith.constant 112 : index
      %swap3A_469 = tpu.vector_load %arg7[%swap3A_467, %swap3A_468] {strides = array<i32>} : memref<80x512xf32, #tpu.memory_space<vmem>>, vector<16xf32>,
      tpu.vector_store %arg7[%swap3A_467, %swap3A_468], %broadcast_in_dim3A_3 {strides = array<i32>} : memref<80x512xf32, #tpu.memory_space<vmem>>, vector<16xf32>,
      %swap3A_470 = arith.index_cast %scan3A_445 : i32 to index
      %swap3A_471 = arith.constant 128 : index
      %swap3A_472 = tpu.vector_load %arg7[%swap3A_470, %swap3A_471] {strides = array<i32>} : memref<80x512xf32, #tpu.memory_space<vmem>>, vector<16xf32>,
      tpu.vector_store %arg7[%swap3A_470, %swap3A_471], %broadcast_in_dim3A_3 {strides = array<i32>} : memref<80x512xf32, #tpu.memory_space<vmem>>, vector<16xf32>,
      %swap3A_473 = arith.index_cast %scan3A_445 : i32 to index
      %swap3A_474 = arith.constant 144 : index
      %swap3A_475 = tpu.vector_load %arg7[%swap3A_473, %swap3A_474] {strides = array<i32>} : memref<80x512xf32, #tpu.memory_space<vmem>>, vector<16xf32>,
      tpu.vector_store %arg7[%swap3A_473, %swap3A_474], %broadcast_in_dim3A_3 {strides = array<i32>} : memref<80x512xf32, #tpu.memory_space<vmem>>, vector<16xf32>,
      %swap3A_476 = arith.index_cast %scan3A_445 : i32 to index
      %swap3A_477 = arith.constant 160 : index
      %swap3A_478 = tpu.vector_load %arg7[%swap3A_476, %swap3A_477] {strides = array<i32>} : memref<80x512xf32, #tpu.memory_space<vmem>>, vector<16xf32>,
      tpu.vector_store %arg7[%swap3A_476, %swap3A_477], %broadcast_in_dim3A_3 {strides = array<i32>} : memref<80x512xf32, #tpu.memory_space<vmem>>, vector<16xf32>,
      %swap3A_479 = arith.index_cast %scan3A_445 : i32 to index
      %swap3A_480 = arith.constant 176 : index
      %swap3A_481 = tpu.vector_load %arg7[%swap3A_479, %swap3A_480] {strides = array<i32>} : memref<80x512xf32, #tpu.memory_space<vmem>>, vector<16xf32>,
      tpu.vector_store %arg7[%swap3A_479, %swap3A_480], %broadcast_in_dim3A_3 {strides = array<i32>} : memref<80x512xf32, #tpu.memory_space<vmem>>, vector<16xf32>,
      %swap3A_482 = arith.index_cast %scan3A_445 : i32 to index
      %swap3A_483 = arith.constant 192 : index
      %swap3A_484 = tpu.vector_load %arg7[%swap3A_482, %swap3A_483] {strides = array<i32>} : memref<80x512xf32, #tpu.memory_space<vmem>>, vector<16xf32>,
      tpu.vector_store %arg7[%swap3A_482, %swap3A_483], %broadcast_in_dim3A_3 {strides = array<i32>} : memref<80x512xf32, #tpu.memory_space<vmem>>, vector<16xf32>,
      %swap3A_485 = arith.index_cast %scan3A_445 : i32 to index
      %swap3A_486 = arith.constant 208 : index
      %swap3A_487 = tpu.vector_load %arg7[%swap3A_485, %swap3A_486] {strides = array<i32>} : memref<80x512xf32, #tpu.memory_space<vmem>>, vector<16xf32>,
      tpu.vector_store %arg7[%swap3A_485, %swap3A_486], %broadcast_in_dim3A_3 {strides = array<i32>} : memref<80x512xf32, #tpu.memory_space<vmem>>, vector<16xf32>,
      %swap3A_488 = arith.index_cast %scan3A_445 : i32 to index
      %swap3A_489 = arith.constant 224 : index
      %swap3A_490 = tpu.vector_load %arg7[%swap3A_488, %swap3A_489] {strides = array<i32>} : memref<80x512xf32, #tpu.memory_space<vmem>>, vector<16xf32>,
      tpu.vector_store %arg7[%swap3A_488, %swap3A_489], %broadcast_in_dim3A_3 {strides = array<i32>} : memref<80x512xf32, #tpu.memory_space<vmem>>, vector<16xf32>,
      %swap3A_491 = arith.index_cast %scan3A_445 : i32 to index
      %swap3A_492 = arith.constant 240 : index
      %swap3A_493 = tpu.vector_load %arg7[%swap3A_491, %swap3A_492] {strides = array<i32>} : memref<80x512xf32, #tpu.memory_space<vmem>>, vector<16xf32>,
      tpu.vector_store %arg7[%swap3A_491, %swap3A_492], %broadcast_in_dim3A_3 {strides = array<i32>} : memref<80x512xf32, #tpu.memory_space<vmem>>, vector<16xf32>,
      %swap3A_494 = arith.index_cast %scan3A_445 : i32 to index
      %swap3A_495 = arith.constant 256 : index
      %swap3A_496 = tpu.vector_load %arg7[%swap3A_494, %swap3A_495] {strides = array<i32>} : memref<80x512xf32, #tpu.memory_space<vmem>>, vector<16xf32>,
      tpu.vector_store %arg7[%swap3A_494, %swap3A_495], %broadcast_in_dim3A_3 {strides = array<i32>} : memref<80x512xf32, #tpu.memory_space<vmem>>, vector<16xf32>,
      %swap3A_497 = arith.index_cast %scan3A_445 : i32 to index
      %swap3A_498 = arith.constant 272 : index
      %swap3A_499 = tpu.vector_load %arg7[%swap3A_497, %swap3A_498] {strides = array<i32>} : memref<80x512xf32, #tpu.memory_space<vmem>>, vector<16xf32>,
      tpu.vector_store %arg7[%swap3A_497, %swap3A_498], %broadcast_in_dim3A_3 {strides = array<i32>} : memref<80x512xf32, #tpu.memory_space<vmem>>, vector<16xf32>,
      %swap3A_500 = arith.index_cast %scan3A_445 : i32 to index
      %swap3A_501 = arith.constant 288 : index
      %swap3A_502 = tpu.vector_load %arg7[%swap3A_500, %swap3A_501] {strides = array<i32>} : memref<80x512xf32, #tpu.memory_space<vmem>>, vector<16xf32>,
      tpu.vector_store %arg7[%swap3A_500, %swap3A_501], %broadcast_in_dim3A_3 {strides = array<i32>} : memref<80x512xf32, #tpu.memory_space<vmem>>, vector<16xf32>,
      %swap3A_503 = arith.index_cast %scan3A_445 : i32 to index
      %swap3A_504 = arith.constant 304 : index
      %swap3A_505 = tpu.vector_load %arg7[%swap3A_503, %swap3A_504] {strides = array<i32>} : memref<80x512xf32, #tpu.memory_space<vmem>>, vector<16xf32>,
      tpu.vector_store %arg7[%swap3A_503, %swap3A_504], %broadcast_in_dim3A_3 {strides = array<i32>} : memref<80x512xf32, #tpu.memory_space<vmem>>, vector<16xf32>,
      %swap3A_506 = arith.index_cast %scan3A_445 : i32 to index
      %swap3A_507 = arith.constant 320 : index
      %swap3A_508 = tpu.vector_load %arg7[%swap3A_506, %swap3A_507] {strides = array<i32>} : memref<80x512xf32, #tpu.memory_space<vmem>>, vector<16xf32>,
      tpu.vector_store %arg7[%swap3A_506, %swap3A_507], %broadcast_in_dim3A_3 {strides = array<i32>} : memref<80x512xf32, #tpu.memory_space<vmem>>, vector<16xf32>,
      %swap3A_509 = arith.index_cast %scan3A_445 : i32 to index
      %swap3A_510 = arith.constant 336 : index
      %swap3A_511 = tpu.vector_load %arg7[%swap3A_509, %swap3A_510] {strides = array<i32>} : memref<80x512xf32, #tpu.memory_space<vmem>>, vector<16xf32>,
      tpu.vector_store %arg7[%swap3A_509, %swap3A_510], %broadcast_in_dim3A_3 {strides = array<i32>} : memref<80x512xf32, #tpu.memory_space<vmem>>, vector<16xf32>,
      %swap3A_512 = arith.index_cast %scan3A_445 : i32 to index
      %swap3A_513 = arith.constant 352 : index
      %swap3A_514 = tpu.vector_load %arg7[%swap3A_512, %swap3A_513] {strides = array<i32>} : memref<80x512xf32, #tpu.memory_space<vmem>>, vector<16xf32>,
      tpu.vector_store %arg7[%swap3A_512, %swap3A_513], %broadcast_in_dim3A_3 {strides = array<i32>} : memref<80x512xf32, #tpu.memory_space<vmem>>, vector<16xf32>,
      %swap3A_515 = arith.index_cast %scan3A_445 : i32 to index
      %swap3A_516 = arith.constant 368 : index
      %swap3A_517 = tpu.vector_load %arg7[%swap3A_515, %swap3A_516] {strides = array<i32>} : memref<80x512xf32, #tpu.memory_space<vmem>>, vector<16xf32>,
      tpu.vector_store %arg7[%swap3A_515, %swap3A_516], %broadcast_in_dim3A_3 {strides = array<i32>} : memref<80x512xf32, #tpu.memory_space<vmem>>, vector<16xf32>,
      %swap3A_518 = arith.index_cast %scan3A_445 : i32 to index
      %swap3A_519 = arith.constant 384 : index
      %swap3A_520 = tpu.vector_load %arg7[%swap3A_518, %swap3A_519] {strides = array<i32>} : memref<80x512xf32, #tpu.memory_space<vmem>>, vector<16xf32>,
      tpu.vector_store %arg7[%swap3A_518, %swap3A_519], %broadcast_in_dim3A_3 {strides = array<i32>} : memref<80x512xf32, #tpu.memory_space<vmem>>, vector<16xf32>,
      %swap3A_521 = arith.index_cast %scan3A_445 : i32 to index
      %swap3A_522 = arith.constant 400 : index
      %swap3A_523 = tpu.vector_load %arg7[%swap3A_521, %swap3A_522] {strides = array<i32>} : memref<80x512xf32, #tpu.memory_space<vmem>>, vector<16xf32>,
      tpu.vector_store %arg7[%swap3A_521, %swap3A_522], %broadcast_in_dim3A_3 {strides = array<i32>} : memref<80x512xf32, #tpu.memory_space<vmem>>, vector<16xf32>,
      %swap3A_524 = arith.index_cast %scan3A_445 : i32 to index
      %swap3A_525 = arith.constant 416 : index
      %swap3A_526 = tpu.vector_load %arg7[%swap3A_524, %swap3A_525] {strides = array<i32>} : memref<80x512xf32, #tpu.memory_space<vmem>>, vector<16xf32>,
      tpu.vector_store %arg7[%swap3A_524, %swap3A_525], %broadcast_in_dim3A_3 {strides = array<i32>} : memref<80x512xf32, #tpu.memory_space<vmem>>, vector<16xf32>,
      %swap3A_527 = arith.index_cast %scan3A_445 : i32 to index
      %swap3A_528 = arith.constant 432 : index
      %swap3A_529 = tpu.vector_load %arg7[%swap3A_527, %swap3A_528] {strides = array<i32>} : memref<80x512xf32, #tpu.memory_space<vmem>>, vector<16xf32>,
      tpu.vector_store %arg7[%swap3A_527, %swap3A_528], %broadcast_in_dim3A_3 {strides = array<i32>} : memref<80x512xf32, #tpu.memory_space<vmem>>, vector<16xf32>,
      %swap3A_530 = arith.index_cast %scan3A_445 : i32 to index
      %swap3A_531 = arith.constant 448 : index
      %swap3A_532 = tpu.vector_load %arg7[%swap3A_530, %swap3A_531] {strides = array<i32>} : memref<80x512xf32, #tpu.memory_space<vmem>>, vector<16xf32>,
      tpu.vector_store %arg7[%swap3A_530, %swap3A_531], %broadcast_in_dim3A_3 {strides = array<i32>} : memref<80x512xf32, #tpu.memory_space<vmem>>, vector<16xf32>,
      %swap3A_533 = arith.index_cast %scan3A_445 : i32 to index
      %swap3A_534 = arith.constant 464 : index
      %swap3A_535 = tpu.vector_load %arg7[%swap3A_533, %swap3A_534] {strides = array<i32>} : memref<80x512xf32, #tpu.memory_space<vmem>>, vector<16xf32>,
      tpu.vector_store %arg7[%swap3A_533, %swap3A_534], %broadcast_in_dim3A_3 {strides = array<i32>} : memref<80x512xf32, #tpu.memory_space<vmem>>, vector<16xf32>,
      %swap3A_536 = arith.index_cast %scan3A_445 : i32 to index
      %swap3A_537 = arith.constant 480 : index
      %swap3A_538 = tpu.vector_load %arg7[%swap3A_536, %swap3A_537] {strides = array<i32>} : memref<80x512xf32, #tpu.memory_space<vmem>>, vector<16xf32>,
      tpu.vector_store %arg7[%swap3A_536, %swap3A_537], %broadcast_in_dim3A_3 {strides = array<i32>} : memref<80x512xf32, #tpu.memory_space<vmem>>, vector<16xf32>,
      %swap3A_539 = arith.index_cast %scan3A_445 : i32 to index
      %swap3A_540 = arith.constant 496 : index
      %swap3A_541 = tpu.vector_load %arg7[%swap3A_539, %swap3A_540] {strides = array<i32>} : memref<80x512xf32, #tpu.memory_space<vmem>>, vector<16xf32>,
      tpu.vector_store %arg7[%swap3A_539, %swap3A_540], %broadcast_in_dim3A_3 {strides = array<i32>} : memref<80x512xf32, #tpu.memory_space<vmem>>, vector<16xf32>,
      %scan3A_542 = arith.constant 0 : i32
      scf.yield %scan3A_542 : i32
    }
    %scan3A_11 = arith.constant 80 : i32
    %scan3A_12 = arith.constant 0 : i32
    %scan3A_13 = arith.constant 0 : i32
    %scan3A_14 = arith.constant 32 : i32
    %scan3A_15 = arith.addi %scan3A_13, %scan3A_14 : i32
    %scan3A_16 = arith.constant 1 : i32
    %scan3A_17 = scf.for %scan3A_445 = %scan3A_13 to %scan3A_15 step %scan3A_16 iter_args(%scan3A_446 = %scan3A_12) -> (i32)  : i32 {
      %mul3A_447 = arith.constant 16 : i32
      %mul3A_448 = arith.muli %scan3A_445, %mul3A_447 : i32
      %get3A = arith.index_cast %mul3A_448 : i32 to index
      %get3A_449 = tpu.vector_load %arg5[%get3A] {strides = array<i32>} : memref<512xi32, #tpu.memory_space<vmem>>, vector<16xi32>,
      %gather3A = tpu.vector_load_idx %arg6[%get3A_449] : memref<128xi32, #tpu.memory_space<vmem>>[vector<16xi32>], vector<16xi32>,
      %sub3A = arith.constant 0 : i32
      %sub3A_450 = vector.broadcast %sub3A : i32 to vector<16xi32>
      %sub3A_451 = arith.subi %gather3A, %sub3A_450 : vector<16xi32>
      %ge3A = arith.constant 0 : i32
      %ge3A_452 = vector.broadcast %ge3A : i32 to vector<16xi32>
      %ge3A_453 = arith.cmpi sge, %sub3A_451, %ge3A_452 : vector<16xi32>
      %lt3A = arith.constant 80 : i32
      %lt3A_454 = vector.broadcast %lt3A : i32 to vector<16xi32>
      %lt3A_455 = arith.cmpi slt, %sub3A_451, %lt3A_454 : vector<16xi32>
      %and3A = arith.andi %ge3A_453, %lt3A_455 : vector<16xi1>
      %jit3A = arith.constant 0 : i32
      %broadcast_in_dim3A_456 = vector.broadcast %jit3A : i32 to vector<16xi32>
      %select_n3A = arith.select %and3A, %sub3A_451, %broadcast_in_dim3A_456 : vector<16xi1>, vector<16xi32>
      %mul3A_457 = arith.constant 16 : i32
      %mul3A_458 = arith.muli %scan3A_445, %mul3A_457 : i32
      %add3A_459 = vector.broadcast %mul3A_458 : i32 to vector<16xi32>
      %add3A_460 = arith.addi %iota3A, %add3A_459 : vector<16xi32>
      tpu.vector_store_idx %arg7[%select_n3A, %add3A_460], %broadcast_in_dim3A_5 masked %and3A : memref<80x512xf32, #tpu.memory_space<vmem>>[vector<16xi32>, vector<16xi32>], vector<16xf32>, vector<16xi1>
      %scan3A_461 = arith.constant 0 : i32
      scf.yield %scan3A_461 : i32
    }
    %scan3A_18 = arith.constant 32 : i32
    %dma_start3A = arith.constant 0 : i32
    %dma_start3A_19 = arith.constant 0 : i32
    %dma_start3A_20 = tpu.memref_slice %arg7[%dma_start3A, %dma_start3A_19] : memref<80x512xf32, #tpu.memory_space<vmem>> -> memref<80x512xf32, #tpu.memory_space<vmem>>
    %dma_start3A_21 = arith.constant 0 : i32
    %dma_start3A_22 = tpu.memref_slice %arg4[%dma_start3A_21, %mul3A_2] : memref<1000x16384xf32, #tpu.memory_space<hbm>> -> memref<80x512xf32, #tpu.memory_space<hbm>>
    %dma_start3A_23 = arith.constant 0 : i32
    %dma_start3A_24 = tpu.memref_slice %arg4[%dma_start3A_23, %mul3A_2] : memref<1000x16384xf32, #tpu.memory_space<hbm>> -> memref<80x512xf32, #tpu.memory_space<hbm>>
    %dma_start3A_25 = arith.constant 0 : i32
    %dma_start3A_26 = arith.constant 0 : i32
    %dma_start3A_27 = tpu.memref_slice %arg7[%dma_start3A_25, %dma_start3A_26] : memref<80x512xf32, #tpu.memory_space<vmem>> -> memref<80x512xf32, #tpu.memory_space<vmem>>
    tpu.enqueue_dma source(%dma_start3A_27 : memref<80x512xf32, #tpu.memory_space<vmem>>) target(%dma_start3A_24 : memref<80x512xf32, #tpu.memory_space<hbm>>) target_semaphore(%arg9 : memref<!tpu.dma_semaphore, #tpu.memory_space<semaphore_mem>>)
    %scan3A_28 = arith.constant 0 : i32
    %scan3A_29 = arith.constant 0 : i32
    %scan3A_30 = arith.constant 80 : i32
    %scan3A_31 = arith.addi %scan3A_29, %scan3A_30 : i32
    %scan3A_32 = arith.constant 1 : i32
    %scan3A_33 = scf.for %scan3A_445 = %scan3A_29 to %scan3A_31 step %scan3A_32 iter_args(%scan3A_446 = %scan3A_28) -> (i32)  : i32 {
      %swap3A = arith.index_cast %scan3A_445 : i32 to index
      %swap3A_447 = arith.constant 0 : index
      %swap3A_448 = tpu.vector_load %arg8[%swap3A, %swap3A_447] {strides = array<i32>} : memref<80x512xf32, #tpu.memory_space<vmem>>, vector<16xf32>,
      tpu.vector_store %arg8[%swap3A, %swap3A_447], %broadcast_in_dim3A_3 {strides = array<i32>} : memref<80x512xf32, #tpu.memory_space<vmem>>, vector<16xf32>,
      %swap3A_449 = arith.index_cast %scan3A_445 : i32 to index
      %swap3A_450 = arith.constant 16 : index
      %swap3A_451 = tpu.vector_load %arg8[%swap3A_449, %swap3A_450] {strides = array<i32>} : memref<80x512xf32, #tpu.memory_space<vmem>>, vector<16xf32>,
      tpu.vector_store %arg8[%swap3A_449, %swap3A_450], %broadcast_in_dim3A_3 {strides = array<i32>} : memref<80x512xf32, #tpu.memory_space<vmem>>, vector<16xf32>,
      %swap3A_452 = arith.index_cast %scan3A_445 : i32 to index
      %swap3A_453 = arith.constant 32 : index
      %swap3A_454 = tpu.vector_load %arg8[%swap3A_452, %swap3A_453] {strides = array<i32>} : memref<80x512xf32, #tpu.memory_space<vmem>>, vector<16xf32>,
      tpu.vector_store %arg8[%swap3A_452, %swap3A_453], %broadcast_in_dim3A_3 {strides = array<i32>} : memref<80x512xf32, #tpu.memory_space<vmem>>, vector<16xf32>,
      %swap3A_455 = arith.index_cast %scan3A_445 : i32 to index
      %swap3A_456 = arith.constant 48 : index
      %swap3A_457 = tpu.vector_load %arg8[%swap3A_455, %swap3A_456] {strides = array<i32>} : memref<80x512xf32, #tpu.memory_space<vmem>>, vector<16xf32>,
      tpu.vector_store %arg8[%swap3A_455, %swap3A_456], %broadcast_in_dim3A_3 {strides = array<i32>} : memref<80x512xf32, #tpu.memory_space<vmem>>, vector<16xf32>,
      %swap3A_458 = arith.index_cast %scan3A_445 : i32 to index
      %swap3A_459 = arith.constant 64 : index
      %swap3A_460 = tpu.vector_load %arg8[%swap3A_458, %swap3A_459] {strides = array<i32>} : memref<80x512xf32, #tpu.memory_space<vmem>>, vector<16xf32>,
      tpu.vector_store %arg8[%swap3A_458, %swap3A_459], %broadcast_in_dim3A_3 {strides = array<i32>} : memref<80x512xf32, #tpu.memory_space<vmem>>, vector<16xf32>,
      %swap3A_461 = arith.index_cast %scan3A_445 : i32 to index
      %swap3A_462 = arith.constant 80 : index
      %swap3A_463 = tpu.vector_load %arg8[%swap3A_461, %swap3A_462] {strides = array<i32>} : memref<80x512xf32, #tpu.memory_space<vmem>>, vector<16xf32>,
      tpu.vector_store %arg8[%swap3A_461, %swap3A_462], %broadcast_in_dim3A_3 {strides = array<i32>} : memref<80x512xf32, #tpu.memory_space<vmem>>, vector<16xf32>,
      %swap3A_464 = arith.index_cast %scan3A_445 : i32 to index
      %swap3A_465 = arith.constant 96 : index
      %swap3A_466 = tpu.vector_load %arg8[%swap3A_464, %swap3A_465] {strides = array<i32>} : memref<80x512xf32, #tpu.memory_space<vmem>>, vector<16xf32>,
      tpu.vector_store %arg8[%swap3A_464, %swap3A_465], %broadcast_in_dim3A_3 {strides = array<i32>} : memref<80x512xf32, #tpu.memory_space<vmem>>, vector<16xf32>,
      %swap3A_467 = arith.index_cast %scan3A_445 : i32 to index
      %swap3A_468 = arith.constant 112 : index
      %swap3A_469 = tpu.vector_load %arg8[%swap3A_467, %swap3A_468] {strides = array<i32>} : memref<80x512xf32, #tpu.memory_space<vmem>>, vector<16xf32>,
      tpu.vector_store %arg8[%swap3A_467, %swap3A_468], %broadcast_in_dim3A_3 {strides = array<i32>} : memref<80x512xf32, #tpu.memory_space<vmem>>, vector<16xf32>,
      %swap3A_470 = arith.index_cast %scan3A_445 : i32 to index
      %swap3A_471 = arith.constant 128 : index
      %swap3A_472 = tpu.vector_load %arg8[%swap3A_470, %swap3A_471] {strides = array<i32>} : memref<80x512xf32, #tpu.memory_space<vmem>>, vector<16xf32>,
      tpu.vector_store %arg8[%swap3A_470, %swap3A_471], %broadcast_in_dim3A_3 {strides = array<i32>} : memref<80x512xf32, #tpu.memory_space<vmem>>, vector<16xf32>,
      %swap3A_473 = arith.index_cast %scan3A_445 : i32 to index
      %swap3A_474 = arith.constant 144 : index
      %swap3A_475 = tpu.vector_load %arg8[%swap3A_473, %swap3A_474] {strides = array<i32>} : memref<80x512xf32, #tpu.memory_space<vmem>>, vector<16xf32>,
      tpu.vector_store %arg8[%swap3A_473, %swap3A_474], %broadcast_in_dim3A_3 {strides = array<i32>} : memref<80x512xf32, #tpu.memory_space<vmem>>, vector<16xf32>,
      %swap3A_476 = arith.index_cast %scan3A_445 : i32 to index
      %swap3A_477 = arith.constant 160 : index
      %swap3A_478 = tpu.vector_load %arg8[%swap3A_476, %swap3A_477] {strides = array<i32>} : memref<80x512xf32, #tpu.memory_space<vmem>>, vector<16xf32>,
      tpu.vector_store %arg8[%swap3A_476, %swap3A_477], %broadcast_in_dim3A_3 {strides = array<i32>} : memref<80x512xf32, #tpu.memory_space<vmem>>, vector<16xf32>,
      %swap3A_479 = arith.index_cast %scan3A_445 : i32 to index
      %swap3A_480 = arith.constant 176 : index
      %swap3A_481 = tpu.vector_load %arg8[%swap3A_479, %swap3A_480] {strides = array<i32>} : memref<80x512xf32, #tpu.memory_space<vmem>>, vector<16xf32>,
      tpu.vector_store %arg8[%swap3A_479, %swap3A_480], %broadcast_in_dim3A_3 {strides = array<i32>} : memref<80x512xf32, #tpu.memory_space<vmem>>, vector<16xf32>,
      %swap3A_482 = arith.index_cast %scan3A_445 : i32 to index
      %swap3A_483 = arith.constant 192 : index
      %swap3A_484 = tpu.vector_load %arg8[%swap3A_482, %swap3A_483] {strides = array<i32>} : memref<80x512xf32, #tpu.memory_space<vmem>>, vector<16xf32>,
      tpu.vector_store %arg8[%swap3A_482, %swap3A_483], %broadcast_in_dim3A_3 {strides = array<i32>} : memref<80x512xf32, #tpu.memory_space<vmem>>, vector<16xf32>,
      %swap3A_485 = arith.index_cast %scan3A_445 : i32 to index
      %swap3A_486 = arith.constant 208 : index
      %swap3A_487 = tpu.vector_load %arg8[%swap3A_485, %swap3A_486] {strides = array<i32>} : memref<80x512xf32, #tpu.memory_space<vmem>>, vector<16xf32>,
      tpu.vector_store %arg8[%swap3A_485, %swap3A_486], %broadcast_in_dim3A_3 {strides = array<i32>} : memref<80x512xf32, #tpu.memory_space<vmem>>, vector<16xf32>,
      %swap3A_488 = arith.index_cast %scan3A_445 : i32 to index
      %swap3A_489 = arith.constant 224 : index
      %swap3A_490 = tpu.vector_load %arg8[%swap3A_488, %swap3A_489] {strides = array<i32>} : memref<80x512xf32, #tpu.memory_space<vmem>>, vector<16xf32>,
      tpu.vector_store %arg8[%swap3A_488, %swap3A_489], %broadcast_in_dim3A_3 {strides = array<i32>} : memref<80x512xf32, #tpu.memory_space<vmem>>, vector<16xf32>,
      %swap3A_491 = arith.index_cast %scan3A_445 : i32 to index
      %swap3A_492 = arith.constant 240 : index
      %swap3A_493 = tpu.vector_load %arg8[%swap3A_491, %swap3A_492] {strides = array<i32>} : memref<80x512xf32, #tpu.memory_space<vmem>>, vector<16xf32>,
      tpu.vector_store %arg8[%swap3A_491, %swap3A_492], %broadcast_in_dim3A_3 {strides = array<i32>} : memref<80x512xf32, #tpu.memory_space<vmem>>, vector<16xf32>,
      %swap3A_494 = arith.index_cast %scan3A_445 : i32 to index
      %swap3A_495 = arith.constant 256 : index
      %swap3A_496 = tpu.vector_load %arg8[%swap3A_494, %swap3A_495] {strides = array<i32>} : memref<80x512xf32, #tpu.memory_space<vmem>>, vector<16xf32>,
      tpu.vector_store %arg8[%swap3A_494, %swap3A_495], %broadcast_in_dim3A_3 {strides = array<i32>} : memref<80x512xf32, #tpu.memory_space<vmem>>, vector<16xf32>,
      %swap3A_497 = arith.index_cast %scan3A_445 : i32 to index
      %swap3A_498 = arith.constant 272 : index
      %swap3A_499 = tpu.vector_load %arg8[%swap3A_497, %swap3A_498] {strides = array<i32>} : memref<80x512xf32, #tpu.memory_space<vmem>>, vector<16xf32>,
      tpu.vector_store %arg8[%swap3A_497, %swap3A_498], %broadcast_in_dim3A_3 {strides = array<i32>} : memref<80x512xf32, #tpu.memory_space<vmem>>, vector<16xf32>,
      %swap3A_500 = arith.index_cast %scan3A_445 : i32 to index
      %swap3A_501 = arith.constant 288 : index
      %swap3A_502 = tpu.vector_load %arg8[%swap3A_500, %swap3A_501] {strides = array<i32>} : memref<80x512xf32, #tpu.memory_space<vmem>>, vector<16xf32>,
      tpu.vector_store %arg8[%swap3A_500, %swap3A_501], %broadcast_in_dim3A_3 {strides = array<i32>} : memref<80x512xf32, #tpu.memory_space<vmem>>, vector<16xf32>,
      %swap3A_503 = arith.index_cast %scan3A_445 : i32 to index
      %swap3A_504 = arith.constant 304 : index
      %swap3A_505 = tpu.vector_load %arg8[%swap3A_503, %swap3A_504] {strides = array<i32>} : memref<80x512xf32, #tpu.memory_space<vmem>>, vector<16xf32>,
      tpu.vector_store %arg8[%swap3A_503, %swap3A_504], %broadcast_in_dim3A_3 {strides = array<i32>} : memref<80x512xf32, #tpu.memory_space<vmem>>, vector<16xf32>,
      %swap3A_506 = arith.index_cast %scan3A_445 : i32 to index
      %swap3A_507 = arith.constant 320 : index
      %swap3A_508 = tpu.vector_load %arg8[%swap3A_506, %swap3A_507] {strides = array<i32>} : memref<80x512xf32, #tpu.memory_space<vmem>>, vector<16xf32>,
      tpu.vector_store %arg8[%swap3A_506, %swap3A_507], %broadcast_in_dim3A_3 {strides = array<i32>} : memref<80x512xf32, #tpu.memory_space<vmem>>, vector<16xf32>,
      %swap3A_509 = arith.index_cast %scan3A_445 : i32 to index
      %swap3A_510 = arith.constant 336 : index
      %swap3A_511 = tpu.vector_load %arg8[%swap3A_509, %swap3A_510] {strides = array<i32>} : memref<80x512xf32, #tpu.memory_space<vmem>>, vector<16xf32>,
      tpu.vector_store %arg8[%swap3A_509, %swap3A_510], %broadcast_in_dim3A_3 {strides = array<i32>} : memref<80x512xf32, #tpu.memory_space<vmem>>, vector<16xf32>,
      %swap3A_512 = arith.index_cast %scan3A_445 : i32 to index
      %swap3A_513 = arith.constant 352 : index
      %swap3A_514 = tpu.vector_load %arg8[%swap3A_512, %swap3A_513] {strides = array<i32>} : memref<80x512xf32, #tpu.memory_space<vmem>>, vector<16xf32>,
      tpu.vector_store %arg8[%swap3A_512, %swap3A_513], %broadcast_in_dim3A_3 {strides = array<i32>} : memref<80x512xf32, #tpu.memory_space<vmem>>, vector<16xf32>,
      %swap3A_515 = arith.index_cast %scan3A_445 : i32 to index
      %swap3A_516 = arith.constant 368 : index
      %swap3A_517 = tpu.vector_load %arg8[%swap3A_515, %swap3A_516] {strides = array<i32>} : memref<80x512xf32, #tpu.memory_space<vmem>>, vector<16xf32>,
      tpu.vector_store %arg8[%swap3A_515, %swap3A_516], %broadcast_in_dim3A_3 {strides = array<i32>} : memref<80x512xf32, #tpu.memory_space<vmem>>, vector<16xf32>,
      %swap3A_518 = arith.index_cast %scan3A_445 : i32 to index
      %swap3A_519 = arith.constant 384 : index
      %swap3A_520 = tpu.vector_load %arg8[%swap3A_518, %swap3A_519] {strides = array<i32>} : memref<80x512xf32, #tpu.memory_space<vmem>>, vector<16xf32>,
      tpu.vector_store %arg8[%swap3A_518, %swap3A_519], %broadcast_in_dim3A_3 {strides = array<i32>} : memref<80x512xf32, #tpu.memory_space<vmem>>, vector<16xf32>,
      %swap3A_521 = arith.index_cast %scan3A_445 : i32 to index
      %swap3A_522 = arith.constant 400 : index
      %swap3A_523 = tpu.vector_load %arg8[%swap3A_521, %swap3A_522] {strides = array<i32>} : memref<80x512xf32, #tpu.memory_space<vmem>>, vector<16xf32>,
      tpu.vector_store %arg8[%swap3A_521, %swap3A_522], %broadcast_in_dim3A_3 {strides = array<i32>} : memref<80x512xf32, #tpu.memory_space<vmem>>, vector<16xf32>,
      %swap3A_524 = arith.index_cast %scan3A_445 : i32 to index
      %swap3A_525 = arith.constant 416 : index
      %swap3A_526 = tpu.vector_load %arg8[%swap3A_524, %swap3A_525] {strides = array<i32>} : memref<80x512xf32, #tpu.memory_space<vmem>>, vector<16xf32>,
      tpu.vector_store %arg8[%swap3A_524, %swap3A_525], %broadcast_in_dim3A_3 {strides = array<i32>} : memref<80x512xf32, #tpu.memory_space<vmem>>, vector<16xf32>,
      %swap3A_527 = arith.index_cast %scan3A_445 : i32 to index
      %swap3A_528 = arith.constant 432 : index
      %swap3A_529 = tpu.vector_load %arg8[%swap3A_527, %swap3A_528] {strides = array<i32>} : memref<80x512xf32, #tpu.memory_space<vmem>>, vector<16xf32>,
      tpu.vector_store %arg8[%swap3A_527, %swap3A_528], %broadcast_in_dim3A_3 {strides = array<i32>} : memref<80x512xf32, #tpu.memory_space<vmem>>, vector<16xf32>,
      %swap3A_530 = arith.index_cast %scan3A_445 : i32 to index
      %swap3A_531 = arith.constant 448 : index
      %swap3A_532 = tpu.vector_load %arg8[%swap3A_530, %swap3A_531] {strides = array<i32>} : memref<80x512xf32, #tpu.memory_space<vmem>>, vector<16xf32>,
      tpu.vector_store %arg8[%swap3A_530, %swap3A_531], %broadcast_in_dim3A_3 {strides = array<i32>} : memref<80x512xf32, #tpu.memory_space<vmem>>, vector<16xf32>,
      %swap3A_533 = arith.index_cast %scan3A_445 : i32 to index
      %swap3A_534 = arith.constant 464 : index
      %swap3A_535 = tpu.vector_load %arg8[%swap3A_533, %swap3A_534] {strides = array<i32>} : memref<80x512xf32, #tpu.memory_space<vmem>>, vector<16xf32>,
      tpu.vector_store %arg8[%swap3A_533, %swap3A_534], %broadcast_in_dim3A_3 {strides = array<i32>} : memref<80x512xf32, #tpu.memory_space<vmem>>, vector<16xf32>,
      %swap3A_536 = arith.index_cast %scan3A_445 : i32 to index
      %swap3A_537 = arith.constant 480 : index
      %swap3A_538 = tpu.vector_load %arg8[%swap3A_536, %swap3A_537] {strides = array<i32>} : memref<80x512xf32, #tpu.memory_space<vmem>>, vector<16xf32>,
      tpu.vector_store %arg8[%swap3A_536, %swap3A_537], %broadcast_in_dim3A_3 {strides = array<i32>} : memref<80x512xf32, #tpu.memory_space<vmem>>, vector<16xf32>,
      %swap3A_539 = arith.index_cast %scan3A_445 : i32 to index
      %swap3A_540 = arith.constant 496 : index
      %swap3A_541 = tpu.vector_load %arg8[%swap3A_539, %swap3A_540] {strides = array<i32>} : memref<80x512xf32, #tpu.memory_space<vmem>>, vector<16xf32>,
      tpu.vector_store %arg8[%swap3A_539, %swap3A_540], %broadcast_in_dim3A_3 {strides = array<i32>} : memref<80x512xf32, #tpu.memory_space<vmem>>, vector<16xf32>,
      %scan3A_542 = arith.constant 0 : i32
      scf.yield %scan3A_542 : i32
    }
    %scan3A_34 = arith.constant 80 : i32
    %scan3A_35 = arith.constant 0 : i32
    %scan3A_36 = arith.constant 0 : i32
    %scan3A_37 = arith.constant 32 : i32
    %scan3A_38 = arith.addi %scan3A_36, %scan3A_37 : i32
    %scan3A_39 = arith.constant 1 : i32
    %scan3A_40 = scf.for %scan3A_445 = %scan3A_36 to %scan3A_38 step %scan3A_39 iter_args(%scan3A_446 = %scan3A_35) -> (i32)  : i32 {
      %mul3A_447 = arith.constant 16 : i32
      %mul3A_448 = arith.muli %scan3A_445, %mul3A_447 : i32
      %get3A = arith.index_cast %mul3A_448 : i32 to index
      %get3A_449 = tpu.vector_load %arg5[%get3A] {strides = array<i32>} : memref<512xi32, #tpu.memory_space<vmem>>, vector<16xi32>,
      %gather3A = tpu.vector_load_idx %arg6[%get3A_449] : memref<128xi32, #tpu.memory_space<vmem>>[vector<16xi32>], vector<16xi32>,
      %sub3A = arith.constant 80 : i32
      %sub3A_450 = vector.broadcast %sub3A : i32 to vector<16xi32>
      %sub3A_451 = arith.subi %gather3A, %sub3A_450 : vector<16xi32>
      %ge3A = arith.constant 0 : i32
      %ge3A_452 = vector.broadcast %ge3A : i32 to vector<16xi32>
      %ge3A_453 = arith.cmpi sge, %sub3A_451, %ge3A_452 : vector<16xi32>
      %lt3A = arith.constant 80 : i32
      %lt3A_454 = vector.broadcast %lt3A : i32 to vector<16xi32>
      %lt3A_455 = arith.cmpi slt, %sub3A_451, %lt3A_454 : vector<16xi32>
      %and3A = arith.andi %ge3A_453, %lt3A_455 : vector<16xi1>
      %jit3A = arith.constant 0 : i32
      %broadcast_in_dim3A_456 = vector.broadcast %jit3A : i32 to vector<16xi32>
      %select_n3A = arith.select %and3A, %sub3A_451, %broadcast_in_dim3A_456 : vector<16xi1>, vector<16xi32>
      %mul3A_457 = arith.constant 16 : i32
      %mul3A_458 = arith.muli %scan3A_445, %mul3A_457 : i32
      %add3A_459 = vector.broadcast %mul3A_458 : i32 to vector<16xi32>
      %add3A_460 = arith.addi %iota3A, %add3A_459 : vector<16xi32>
      tpu.vector_store_idx %arg8[%select_n3A, %add3A_460], %broadcast_in_dim3A_5 masked %and3A : memref<80x512xf32, #tpu.memory_space<vmem>>[vector<16xi32>, vector<16xi32>], vector<16xf32>, vector<16xi1>
      %scan3A_461 = arith.constant 0 : i32
      scf.yield %scan3A_461 : i32
    }
    %scan3A_41 = arith.constant 32 : i32
    %dma_start3A_42 = arith.constant 0 : i32
    %dma_start3A_43 = arith.constant 0 : i32
    %dma_start3A_44 = tpu.memref_slice %arg8[%dma_start3A_42, %dma_start3A_43] : memref<80x512xf32, #tpu.memory_space<vmem>> -> memref<80x512xf32, #tpu.memory_space<vmem>>
    %dma_start3A_45 = arith.constant 80 : i32
    %dma_start3A_46 = tpu.memref_slice %arg4[%dma_start3A_45, %mul3A_2] : memref<1000x16384xf32, #tpu.memory_space<hbm>> -> memref<80x512xf32, #tpu.memory_space<hbm>>
    %dma_start3A_47 = arith.constant 80 : i32
    %dma_start3A_48 = tpu.memref_slice %arg4[%dma_start3A_47, %mul3A_2] : memref<1000x16384xf32, #tpu.memory_space<hbm>> -> memref<80x512xf32, #tpu.memory_space<hbm>>
    %dma_start3A_49 = arith.constant 0 : i32
    %dma_start3A_50 = arith.constant 0 : i32
    %dma_start3A_51 = tpu.memref_slice %arg8[%dma_start3A_49, %dma_start3A_50] : memref<80x512xf32, #tpu.memory_space<vmem>> -> memref<80x512xf32, #tpu.memory_space<vmem>>
    tpu.enqueue_dma source(%dma_start3A_51 : memref<80x512xf32, #tpu.memory_space<vmem>>) target(%dma_start3A_48 : memref<80x512xf32, #tpu.memory_space<hbm>>) target_semaphore(%arg10 : memref<!tpu.dma_semaphore, #tpu.memory_space<semaphore_mem>>)
    %dma_wait3A = arith.constant 0 : i32
    %dma_wait3A_52 = arith.constant 0 : i32
    %dma_wait3A_53 = tpu.memref_slice %arg7[%dma_wait3A, %dma_wait3A_52] : memref<80x512xf32, #tpu.memory_space<vmem>> -> memref<80x512xf32, #tpu.memory_space<vmem>>
    %dma_wait3A_54 = arith.constant 0 : i32
    %dma_wait3A_55 = tpu.memref_slice %arg4[%dma_wait3A_54, %mul3A_2] : memref<1000x16384xf32, #tpu.memory_space<hbm>> -> memref<80x512xf32, #tpu.memory_space<hbm>>
    %dma_wait3A_56 = arith.constant 0 : i32
    %dma_wait3A_57 = tpu.memref_slice %arg4[%dma_wait3A_56, %mul3A_2] : memref<1000x16384xf32, #tpu.memory_space<hbm>> -> memref<80x512xf32, #tpu.memory_space<hbm>>
    %dma_wait3A_58 = arith.constant 0 : i32
    %dma_wait3A_59 = arith.constant 0 : i32
    %dma_wait3A_60 = tpu.memref_slice %arg7[%dma_wait3A_58, %dma_wait3A_59] : memref<80x512xf32, #tpu.memory_space<vmem>> -> memref<80x512xf32, #tpu.memory_space<vmem>>
    tpu.wait_dma2 semaphore(%arg9 : memref<!tpu.dma_semaphore, #tpu.memory_space<semaphore_mem>>) src(%dma_wait3A_60 : memref<80x512xf32, #tpu.memory_space<vmem>>) dst(%dma_wait3A_57 : memref<80x512xf32, #tpu.memory_space<hbm>>)
    %scan3A_61 = arith.constant 0 : i32
    %scan3A_62 = arith.constant 0 : i32
    %scan3A_63 = arith.constant 32 : i32
    %scan3A_64 = arith.addi %scan3A_62, %scan3A_63 : i32
    %scan3A_65 = arith.constant 1 : i32
    %scan3A_66 = scf.for %scan3A_445 = %scan3A_62 to %scan3A_64 step %scan3A_65 iter_args(%scan3A_446 = %scan3A_61) -> (i32)  : i32 {
      %mul3A_447 = arith.constant 16 : i32
      %mul3A_448 = arith.muli %scan3A_445, %mul3A_447 : i32
      %get3A = arith.index_cast %mul3A_448 : i32 to index
      %get3A_449 = tpu.vector_load %arg5[%get3A] {strides = array<i32>} : memref<512xi32, #tpu.memory_space<vmem>>, vector<16xi32>,
      %gather3A = tpu.vector_load_idx %arg6[%get3A_449] : memref<128xi32, #tpu.memory_space<vmem>>[vector<16xi32>], vector<16xi32>,
      %sub3A = arith.constant 0 : i32
      %sub3A_450 = vector.broadcast %sub3A : i32 to vector<16xi32>
      %sub3A_451 = arith.subi %gather3A, %sub3A_450 : vector<16xi32>
      %ge3A = arith.constant 0 : i32
      %ge3A_452 = vector.broadcast %ge3A : i32 to vector<16xi32>
      %ge3A_453 = arith.cmpi sge, %sub3A_451, %ge3A_452 : vector<16xi32>
      %lt3A = arith.constant 80 : i32
      %lt3A_454 = vector.broadcast %lt3A : i32 to vector<16xi32>
      %lt3A_455 = arith.cmpi slt, %sub3A_451, %lt3A_454 : vector<16xi32>
      %and3A = arith.andi %ge3A_453, %lt3A_455 : vector<16xi1>
      %jit3A = arith.constant 0 : i32
      %broadcast_in_dim3A_456 = vector.broadcast %jit3A : i32 to vector<16xi32>
      %select_n3A = arith.select %and3A, %sub3A_451, %broadcast_in_dim3A_456 : vector<16xi1>, vector<16xi32>
      %mul3A_457 = arith.constant 16 : i32
      %mul3A_458 = arith.muli %scan3A_445, %mul3A_457 : i32
      %add3A_459 = vector.broadcast %mul3A_458 : i32 to vector<16xi32>
      %add3A_460 = arith.addi %iota3A, %add3A_459 : vector<16xi32>
      tpu.vector_store_idx %arg7[%select_n3A, %add3A_460], %broadcast_in_dim3A_3 masked %and3A : memref<80x512xf32, #tpu.memory_space<vmem>>[vector<16xi32>, vector<16xi32>], vector<16xf32>, vector<16xi1>
      %scan3A_461 = arith.constant 0 : i32
      scf.yield %scan3A_461 : i32
    }
    %scan3A_67 = arith.constant 32 : i32
    %scan3A_68 = arith.constant 0 : i32
    %scan3A_69 = arith.constant 0 : i32
    %scan3A_70 = arith.constant 32 : i32
    %scan3A_71 = arith.addi %scan3A_69, %scan3A_70 : i32
    %scan3A_72 = arith.constant 1 : i32
    %scan3A_73 = scf.for %scan3A_445 = %scan3A_69 to %scan3A_71 step %scan3A_72 iter_args(%scan3A_446 = %scan3A_68) -> (i32)  : i32 {
      %mul3A_447 = arith.constant 16 : i32
      %mul3A_448 = arith.muli %scan3A_445, %mul3A_447 : i32
      %get3A = arith.index_cast %mul3A_448 : i32 to index
      %get3A_449 = tpu.vector_load %arg5[%get3A] {strides = array<i32>} : memref<512xi32, #tpu.memory_space<vmem>>, vector<16xi32>,
      %gather3A = tpu.vector_load_idx %arg6[%get3A_449] : memref<128xi32, #tpu.memory_space<vmem>>[vector<16xi32>], vector<16xi32>,
      %sub3A = arith.constant 160 : i32
      %sub3A_450 = vector.broadcast %sub3A : i32 to vector<16xi32>
      %sub3A_451 = arith.subi %gather3A, %sub3A_450 : vector<16xi32>
      %ge3A = arith.constant 0 : i32
      %ge3A_452 = vector.broadcast %ge3A : i32 to vector<16xi32>
      %ge3A_453 = arith.cmpi sge, %sub3A_451, %ge3A_452 : vector<16xi32>
      %lt3A = arith.constant 80 : i32
      %lt3A_454 = vector.broadcast %lt3A : i32 to vector<16xi32>
      %lt3A_455 = arith.cmpi slt, %sub3A_451, %lt3A_454 : vector<16xi32>
      %and3A = arith.andi %ge3A_453, %lt3A_455 : vector<16xi1>
      %jit3A = arith.constant 0 : i32
      %broadcast_in_dim3A_456 = vector.broadcast %jit3A : i32 to vector<16xi32>
      %select_n3A = arith.select %and3A, %sub3A_451, %broadcast_in_dim3A_456 : vector<16xi1>, vector<16xi32>
      %mul3A_457 = arith.constant 16 : i32
      %mul3A_458 = arith.muli %scan3A_445, %mul3A_457 : i32
      %add3A_459 = vector.broadcast %mul3A_458 : i32 to vector<16xi32>
      %add3A_460 = arith.addi %iota3A, %add3A_459 : vector<16xi32>
      tpu.vector_store_idx %arg7[%select_n3A, %add3A_460], %broadcast_in_dim3A_5 masked %and3A : memref<80x512xf32, #tpu.memory_space<vmem>>[vector<16xi32>, vector<16xi32>], vector<16xf32>, vector<16xi1>
      %scan3A_461 = arith.constant 0 : i32
      scf.yield %scan3A_461 : i32
    }
    %scan3A_74 = arith.constant 32 : i32
    %dma_start3A_75 = arith.constant 0 : i32
    %dma_start3A_76 = arith.constant 0 : i32
    %dma_start3A_77 = tpu.memref_slice %arg7[%dma_start3A_75, %dma_start3A_76] : memref<80x512xf32, #tpu.memory_space<vmem>> -> memref<80x512xf32, #tpu.memory_space<vmem>>
    %dma_start3A_78 = arith.constant 160 : i32
    %dma_start3A_79 = tpu.memref_slice %arg4[%dma_start3A_78, %mul3A_2] : memref<1000x16384xf32, #tpu.memory_space<hbm>> -> memref<80x512xf32, #tpu.memory_space<hbm>>
    %dma_start3A_80 = arith.constant 160 : i32
    %dma_start3A_81 = tpu.memref_slice %arg4[%dma_start3A_80, %mul3A_2] : memref<1000x16384xf32, #tpu.memory_space<hbm>> -> memref<80x512xf32, #tpu.memory_space<hbm>>
    %dma_start3A_82 = arith.constant 0 : i32
    %dma_start3A_83 = arith.constant 0 : i32
    %dma_start3A_84 = tpu.memref_slice %arg7[%dma_start3A_82, %dma_start3A_83] : memref<80x512xf32, #tpu.memory_space<vmem>> -> memref<80x512xf32, #tpu.memory_space<vmem>>
    tpu.enqueue_dma source(%dma_start3A_84 : memref<80x512xf32, #tpu.memory_space<vmem>>) target(%dma_start3A_81 : memref<80x512xf32, #tpu.memory_space<hbm>>) target_semaphore(%arg9 : memref<!tpu.dma_semaphore, #tpu.memory_space<semaphore_mem>>)
    %dma_wait3A_85 = arith.constant 0 : i32
    %dma_wait3A_86 = arith.constant 0 : i32
    %dma_wait3A_87 = tpu.memref_slice %arg8[%dma_wait3A_85, %dma_wait3A_86] : memref<80x512xf32, #tpu.memory_space<vmem>> -> memref<80x512xf32, #tpu.memory_space<vmem>>
    %dma_wait3A_88 = arith.constant 80 : i32
    %dma_wait3A_89 = tpu.memref_slice %arg4[%dma_wait3A_88, %mul3A_2] : memref<1000x16384xf32, #tpu.memory_space<hbm>> -> memref<80x512xf32, #tpu.memory_space<hbm>>
    %dma_wait3A_90 = arith.constant 80 : i32
    %dma_wait3A_91 = tpu.memref_slice %arg4[%dma_wait3A_90, %mul3A_2] : memref<1000x16384xf32, #tpu.memory_space<hbm>> -> memref<80x512xf32, #tpu.memory_space<hbm>>
    %dma_wait3A_92 = arith.constant 0 : i32
    %dma_wait3A_93 = arith.constant 0 : i32
    %dma_wait3A_94 = tpu.memref_slice %arg8[%dma_wait3A_92, %dma_wait3A_93] : memref<80x512xf32, #tpu.memory_space<vmem>> -> memref<80x512xf32, #tpu.memory_space<vmem>>
    tpu.wait_dma2 semaphore(%arg10 : memref<!tpu.dma_semaphore, #tpu.memory_space<semaphore_mem>>) src(%dma_wait3A_94 : memref<80x512xf32, #tpu.memory_space<vmem>>) dst(%dma_wait3A_91 : memref<80x512xf32, #tpu.memory_space<hbm>>)
    %scan3A_95 = arith.constant 0 : i32
    %scan3A_96 = arith.constant 0 : i32
    %scan3A_97 = arith.constant 32 : i32
    %scan3A_98 = arith.addi %scan3A_96, %scan3A_97 : i32
    %scan3A_99 = arith.constant 1 : i32
    %scan3A_100 = scf.for %scan3A_445 = %scan3A_96 to %scan3A_98 step %scan3A_99 iter_args(%scan3A_446 = %scan3A_95) -> (i32)  : i32 {
      %mul3A_447 = arith.constant 16 : i32
      %mul3A_448 = arith.muli %scan3A_445, %mul3A_447 : i32
      %get3A = arith.index_cast %mul3A_448 : i32 to index
      %get3A_449 = tpu.vector_load %arg5[%get3A] {strides = array<i32>} : memref<512xi32, #tpu.memory_space<vmem>>, vector<16xi32>,
      %gather3A = tpu.vector_load_idx %arg6[%get3A_449] : memref<128xi32, #tpu.memory_space<vmem>>[vector<16xi32>], vector<16xi32>,
      %sub3A = arith.constant 80 : i32
      %sub3A_450 = vector.broadcast %sub3A : i32 to vector<16xi32>
      %sub3A_451 = arith.subi %gather3A, %sub3A_450 : vector<16xi32>
      %ge3A = arith.constant 0 : i32
      %ge3A_452 = vector.broadcast %ge3A : i32 to vector<16xi32>
      %ge3A_453 = arith.cmpi sge, %sub3A_451, %ge3A_452 : vector<16xi32>
      %lt3A = arith.constant 80 : i32
      %lt3A_454 = vector.broadcast %lt3A : i32 to vector<16xi32>
      %lt3A_455 = arith.cmpi slt, %sub3A_451, %lt3A_454 : vector<16xi32>
      %and3A = arith.andi %ge3A_453, %lt3A_455 : vector<16xi1>
      %jit3A = arith.constant 0 : i32
      %broadcast_in_dim3A_456 = vector.broadcast %jit3A : i32 to vector<16xi32>
      %select_n3A = arith.select %and3A, %sub3A_451, %broadcast_in_dim3A_456 : vector<16xi1>, vector<16xi32>
      %mul3A_457 = arith.constant 16 : i32
      %mul3A_458 = arith.muli %scan3A_445, %mul3A_457 : i32
      %add3A_459 = vector.broadcast %mul3A_458 : i32 to vector<16xi32>
      %add3A_460 = arith.addi %iota3A, %add3A_459 : vector<16xi32>
      tpu.vector_store_idx %arg8[%select_n3A, %add3A_460], %broadcast_in_dim3A_3 masked %and3A : memref<80x512xf32, #tpu.memory_space<vmem>>[vector<16xi32>, vector<16xi32>], vector<16xf32>, vector<16xi1>
      %scan3A_461 = arith.constant 0 : i32
      scf.yield %scan3A_461 : i32
    }
    %scan3A_101 = arith.constant 32 : i32
    %scan3A_102 = arith.constant 0 : i32
    %scan3A_103 = arith.constant 0 : i32
    %scan3A_104 = arith.constant 32 : i32
    %scan3A_105 = arith.addi %scan3A_103, %scan3A_104 : i32
    %scan3A_106 = arith.constant 1 : i32
    %scan3A_107 = scf.for %scan3A_445 = %scan3A_103 to %scan3A_105 step %scan3A_106 iter_args(%scan3A_446 = %scan3A_102) -> (i32)  : i32 {
      %mul3A_447 = arith.constant 16 : i32
      %mul3A_448 = arith.muli %scan3A_445, %mul3A_447 : i32
      %get3A = arith.index_cast %mul3A_448 : i32 to index
      %get3A_449 = tpu.vector_load %arg5[%get3A] {strides = array<i32>} : memref<512xi32, #tpu.memory_space<vmem>>, vector<16xi32>,
      %gather3A = tpu.vector_load_idx %arg6[%get3A_449] : memref<128xi32, #tpu.memory_space<vmem>>[vector<16xi32>], vector<16xi32>,
      %sub3A = arith.constant 240 : i32
      %sub3A_450 = vector.broadcast %sub3A : i32 to vector<16xi32>
      %sub3A_451 = arith.subi %gather3A, %sub3A_450 : vector<16xi32>
      %ge3A = arith.constant 0 : i32
      %ge3A_452 = vector.broadcast %ge3A : i32 to vector<16xi32>
      %ge3A_453 = arith.cmpi sge, %sub3A_451, %ge3A_452 : vector<16xi32>
      %lt3A = arith.constant 80 : i32
      %lt3A_454 = vector.broadcast %lt3A : i32 to vector<16xi32>
      %lt3A_455 = arith.cmpi slt, %sub3A_451, %lt3A_454 : vector<16xi32>
      %and3A = arith.andi %ge3A_453, %lt3A_455 : vector<16xi1>
      %jit3A = arith.constant 0 : i32
      %broadcast_in_dim3A_456 = vector.broadcast %jit3A : i32 to vector<16xi32>
      %select_n3A = arith.select %and3A, %sub3A_451, %broadcast_in_dim3A_456 : vector<16xi1>, vector<16xi32>
      %mul3A_457 = arith.constant 16 : i32
      %mul3A_458 = arith.muli %scan3A_445, %mul3A_457 : i32
      %add3A_459 = vector.broadcast %mul3A_458 : i32 to vector<16xi32>
      %add3A_460 = arith.addi %iota3A, %add3A_459 : vector<16xi32>
      tpu.vector_store_idx %arg8[%select_n3A, %add3A_460], %broadcast_in_dim3A_5 masked %and3A : memref<80x512xf32, #tpu.memory_space<vmem>>[vector<16xi32>, vector<16xi32>], vector<16xf32>, vector<16xi1>
      %scan3A_461 = arith.constant 0 : i32
      scf.yield %scan3A_461 : i32
    }
    %scan3A_108 = arith.constant 32 : i32
    %dma_start3A_109 = arith.constant 0 : i32
    %dma_start3A_110 = arith.constant 0 : i32
    %dma_start3A_111 = tpu.memref_slice %arg8[%dma_start3A_109, %dma_start3A_110] : memref<80x512xf32, #tpu.memory_space<vmem>> -> memref<80x512xf32, #tpu.memory_space<vmem>>
    %dma_start3A_112 = arith.constant 240 : i32
    %dma_start3A_113 = tpu.memref_slice %arg4[%dma_start3A_112, %mul3A_2] : memref<1000x16384xf32, #tpu.memory_space<hbm>> -> memref<80x512xf32, #tpu.memory_space<hbm>>
    %dma_start3A_114 = arith.constant 240 : i32
    %dma_start3A_115 = tpu.memref_slice %arg4[%dma_start3A_114, %mul3A_2] : memref<1000x16384xf32, #tpu.memory_space<hbm>> -> memref<80x512xf32, #tpu.memory_space<hbm>>
    %dma_start3A_116 = arith.constant 0 : i32
    %dma_start3A_117 = arith.constant 0 : i32
    %dma_start3A_118 = tpu.memref_slice %arg8[%dma_start3A_116, %dma_start3A_117] : memref<80x512xf32, #tpu.memory_space<vmem>> -> memref<80x512xf32, #tpu.memory_space<vmem>>
    tpu.enqueue_dma source(%dma_start3A_118 : memref<80x512xf32, #tpu.memory_space<vmem>>) target(%dma_start3A_115 : memref<80x512xf32, #tpu.memory_space<hbm>>) target_semaphore(%arg10 : memref<!tpu.dma_semaphore, #tpu.memory_space<semaphore_mem>>)
    %dma_wait3A_119 = arith.constant 0 : i32
    %dma_wait3A_120 = arith.constant 0 : i32
    %dma_wait3A_121 = tpu.memref_slice %arg7[%dma_wait3A_119, %dma_wait3A_120] : memref<80x512xf32, #tpu.memory_space<vmem>> -> memref<80x512xf32, #tpu.memory_space<vmem>>
    %dma_wait3A_122 = arith.constant 160 : i32
    %dma_wait3A_123 = tpu.memref_slice %arg4[%dma_wait3A_122, %mul3A_2] : memref<1000x16384xf32, #tpu.memory_space<hbm>> -> memref<80x512xf32, #tpu.memory_space<hbm>>
    %dma_wait3A_124 = arith.constant 160 : i32
    %dma_wait3A_125 = tpu.memref_slice %arg4[%dma_wait3A_124, %mul3A_2] : memref<1000x16384xf32, #tpu.memory_space<hbm>> -> memref<80x512xf32, #tpu.memory_space<hbm>>
    %dma_wait3A_126 = arith.constant 0 : i32
    %dma_wait3A_127 = arith.constant 0 : i32
    %dma_wait3A_128 = tpu.memref_slice %arg7[%dma_wait3A_126, %dma_wait3A_127] : memref<80x512xf32, #tpu.memory_space<vmem>> -> memref<80x512xf32, #tpu.memory_space<vmem>>
    tpu.wait_dma2 semaphore(%arg9 : memref<!tpu.dma_semaphore, #tpu.memory_space<semaphore_mem>>) src(%dma_wait3A_128 : memref<80x512xf32, #tpu.memory_space<vmem>>) dst(%dma_wait3A_125 : memref<80x512xf32, #tpu.memory_space<hbm>>)
    %scan3A_129 = arith.constant 0 : i32
    %scan3A_130 = arith.constant 0 : i32
    %scan3A_131 = arith.constant 32 : i32
    %scan3A_132 = arith.addi %scan3A_130, %scan3A_131 : i32
    %scan3A_133 = arith.constant 1 : i32
    %scan3A_134 = scf.for %scan3A_445 = %scan3A_130 to %scan3A_132 step %scan3A_133 iter_args(%scan3A_446 = %scan3A_129) -> (i32)  : i32 {
      %mul3A_447 = arith.constant 16 : i32
      %mul3A_448 = arith.muli %scan3A_445, %mul3A_447 : i32
      %get3A = arith.index_cast %mul3A_448 : i32 to index
      %get3A_449 = tpu.vector_load %arg5[%get3A] {strides = array<i32>} : memref<512xi32, #tpu.memory_space<vmem>>, vector<16xi32>,
      %gather3A = tpu.vector_load_idx %arg6[%get3A_449] : memref<128xi32, #tpu.memory_space<vmem>>[vector<16xi32>], vector<16xi32>,
      %sub3A = arith.constant 160 : i32
      %sub3A_450 = vector.broadcast %sub3A : i32 to vector<16xi32>
      %sub3A_451 = arith.subi %gather3A, %sub3A_450 : vector<16xi32>
      %ge3A = arith.constant 0 : i32
      %ge3A_452 = vector.broadcast %ge3A : i32 to vector<16xi32>
      %ge3A_453 = arith.cmpi sge, %sub3A_451, %ge3A_452 : vector<16xi32>
      %lt3A = arith.constant 80 : i32
      %lt3A_454 = vector.broadcast %lt3A : i32 to vector<16xi32>
      %lt3A_455 = arith.cmpi slt, %sub3A_451, %lt3A_454 : vector<16xi32>
      %and3A = arith.andi %ge3A_453, %lt3A_455 : vector<16xi1>
      %jit3A = arith.constant 0 : i32
      %broadcast_in_dim3A_456 = vector.broadcast %jit3A : i32 to vector<16xi32>
      %select_n3A = arith.select %and3A, %sub3A_451, %broadcast_in_dim3A_456 : vector<16xi1>, vector<16xi32>
      %mul3A_457 = arith.constant 16 : i32
      %mul3A_458 = arith.muli %scan3A_445, %mul3A_457 : i32
      %add3A_459 = vector.broadcast %mul3A_458 : i32 to vector<16xi32>
      %add3A_460 = arith.addi %iota3A, %add3A_459 : vector<16xi32>
      tpu.vector_store_idx %arg7[%select_n3A, %add3A_460], %broadcast_in_dim3A_3 masked %and3A : memref<80x512xf32, #tpu.memory_space<vmem>>[vector<16xi32>, vector<16xi32>], vector<16xf32>, vector<16xi1>
      %scan3A_461 = arith.constant 0 : i32
      scf.yield %scan3A_461 : i32
    }
    %scan3A_135 = arith.constant 32 : i32
    %scan3A_136 = arith.constant 0 : i32
    %scan3A_137 = arith.constant 0 : i32
    %scan3A_138 = arith.constant 32 : i32
    %scan3A_139 = arith.addi %scan3A_137, %scan3A_138 : i32
    %scan3A_140 = arith.constant 1 : i32
    %scan3A_141 = scf.for %scan3A_445 = %scan3A_137 to %scan3A_139 step %scan3A_140 iter_args(%scan3A_446 = %scan3A_136) -> (i32)  : i32 {
      %mul3A_447 = arith.constant 16 : i32
      %mul3A_448 = arith.muli %scan3A_445, %mul3A_447 : i32
      %get3A = arith.index_cast %mul3A_448 : i32 to index
      %get3A_449 = tpu.vector_load %arg5[%get3A] {strides = array<i32>} : memref<512xi32, #tpu.memory_space<vmem>>, vector<16xi32>,
      %gather3A = tpu.vector_load_idx %arg6[%get3A_449] : memref<128xi32, #tpu.memory_space<vmem>>[vector<16xi32>], vector<16xi32>,
      %sub3A = arith.constant 320 : i32
      %sub3A_450 = vector.broadcast %sub3A : i32 to vector<16xi32>
      %sub3A_451 = arith.subi %gather3A, %sub3A_450 : vector<16xi32>
      %ge3A = arith.constant 0 : i32
      %ge3A_452 = vector.broadcast %ge3A : i32 to vector<16xi32>
      %ge3A_453 = arith.cmpi sge, %sub3A_451, %ge3A_452 : vector<16xi32>
      %lt3A = arith.constant 80 : i32
      %lt3A_454 = vector.broadcast %lt3A : i32 to vector<16xi32>
      %lt3A_455 = arith.cmpi slt, %sub3A_451, %lt3A_454 : vector<16xi32>
      %and3A = arith.andi %ge3A_453, %lt3A_455 : vector<16xi1>
      %jit3A = arith.constant 0 : i32
      %broadcast_in_dim3A_456 = vector.broadcast %jit3A : i32 to vector<16xi32>
      %select_n3A = arith.select %and3A, %sub3A_451, %broadcast_in_dim3A_456 : vector<16xi1>, vector<16xi32>
      %mul3A_457 = arith.constant 16 : i32
      %mul3A_458 = arith.muli %scan3A_445, %mul3A_457 : i32
      %add3A_459 = vector.broadcast %mul3A_458 : i32 to vector<16xi32>
      %add3A_460 = arith.addi %iota3A, %add3A_459 : vector<16xi32>
      tpu.vector_store_idx %arg7[%select_n3A, %add3A_460], %broadcast_in_dim3A_5 masked %and3A : memref<80x512xf32, #tpu.memory_space<vmem>>[vector<16xi32>, vector<16xi32>], vector<16xf32>, vector<16xi1>
      %scan3A_461 = arith.constant 0 : i32
      scf.yield %scan3A_461 : i32
    }
    %scan3A_142 = arith.constant 32 : i32
    %dma_start3A_143 = arith.constant 0 : i32
    %dma_start3A_144 = arith.constant 0 : i32
    %dma_start3A_145 = tpu.memref_slice %arg7[%dma_start3A_143, %dma_start3A_144] : memref<80x512xf32, #tpu.memory_space<vmem>> -> memref<80x512xf32, #tpu.memory_space<vmem>>
    %dma_start3A_146 = arith.constant 320 : i32
    %dma_start3A_147 = tpu.memref_slice %arg4[%dma_start3A_146, %mul3A_2] : memref<1000x16384xf32, #tpu.memory_space<hbm>> -> memref<80x512xf32, #tpu.memory_space<hbm>>
    %dma_start3A_148 = arith.constant 320 : i32
    %dma_start3A_149 = tpu.memref_slice %arg4[%dma_start3A_148, %mul3A_2] : memref<1000x16384xf32, #tpu.memory_space<hbm>> -> memref<80x512xf32, #tpu.memory_space<hbm>>
    %dma_start3A_150 = arith.constant 0 : i32
    %dma_start3A_151 = arith.constant 0 : i32
    %dma_start3A_152 = tpu.memref_slice %arg7[%dma_start3A_150, %dma_start3A_151] : memref<80x512xf32, #tpu.memory_space<vmem>> -> memref<80x512xf32, #tpu.memory_space<vmem>>
    tpu.enqueue_dma source(%dma_start3A_152 : memref<80x512xf32, #tpu.memory_space<vmem>>) target(%dma_start3A_149 : memref<80x512xf32, #tpu.memory_space<hbm>>) target_semaphore(%arg9 : memref<!tpu.dma_semaphore, #tpu.memory_space<semaphore_mem>>)
    %dma_wait3A_153 = arith.constant 0 : i32
    %dma_wait3A_154 = arith.constant 0 : i32
    %dma_wait3A_155 = tpu.memref_slice %arg8[%dma_wait3A_153, %dma_wait3A_154] : memref<80x512xf32, #tpu.memory_space<vmem>> -> memref<80x512xf32, #tpu.memory_space<vmem>>
    %dma_wait3A_156 = arith.constant 240 : i32
    %dma_wait3A_157 = tpu.memref_slice %arg4[%dma_wait3A_156, %mul3A_2] : memref<1000x16384xf32, #tpu.memory_space<hbm>> -> memref<80x512xf32, #tpu.memory_space<hbm>>
    %dma_wait3A_158 = arith.constant 240 : i32
    %dma_wait3A_159 = tpu.memref_slice %arg4[%dma_wait3A_158, %mul3A_2] : memref<1000x16384xf32, #tpu.memory_space<hbm>> -> memref<80x512xf32, #tpu.memory_space<hbm>>
    %dma_wait3A_160 = arith.constant 0 : i32
    %dma_wait3A_161 = arith.constant 0 : i32
    %dma_wait3A_162 = tpu.memref_slice %arg8[%dma_wait3A_160, %dma_wait3A_161] : memref<80x512xf32, #tpu.memory_space<vmem>> -> memref<80x512xf32, #tpu.memory_space<vmem>>
    tpu.wait_dma2 semaphore(%arg10 : memref<!tpu.dma_semaphore, #tpu.memory_space<semaphore_mem>>) src(%dma_wait3A_162 : memref<80x512xf32, #tpu.memory_space<vmem>>) dst(%dma_wait3A_159 : memref<80x512xf32, #tpu.memory_space<hbm>>)
    %scan3A_163 = arith.constant 0 : i32
    %scan3A_164 = arith.constant 0 : i32
    %scan3A_165 = arith.constant 32 : i32
    %scan3A_166 = arith.addi %scan3A_164, %scan3A_165 : i32
    %scan3A_167 = arith.constant 1 : i32
    %scan3A_168 = scf.for %scan3A_445 = %scan3A_164 to %scan3A_166 step %scan3A_167 iter_args(%scan3A_446 = %scan3A_163) -> (i32)  : i32 {
      %mul3A_447 = arith.constant 16 : i32
      %mul3A_448 = arith.muli %scan3A_445, %mul3A_447 : i32
      %get3A = arith.index_cast %mul3A_448 : i32 to index
      %get3A_449 = tpu.vector_load %arg5[%get3A] {strides = array<i32>} : memref<512xi32, #tpu.memory_space<vmem>>, vector<16xi32>,
      %gather3A = tpu.vector_load_idx %arg6[%get3A_449] : memref<128xi32, #tpu.memory_space<vmem>>[vector<16xi32>], vector<16xi32>,
      %sub3A = arith.constant 240 : i32
      %sub3A_450 = vector.broadcast %sub3A : i32 to vector<16xi32>
      %sub3A_451 = arith.subi %gather3A, %sub3A_450 : vector<16xi32>
      %ge3A = arith.constant 0 : i32
      %ge3A_452 = vector.broadcast %ge3A : i32 to vector<16xi32>
      %ge3A_453 = arith.cmpi sge, %sub3A_451, %ge3A_452 : vector<16xi32>
      %lt3A = arith.constant 80 : i32
      %lt3A_454 = vector.broadcast %lt3A : i32 to vector<16xi32>
      %lt3A_455 = arith.cmpi slt, %sub3A_451, %lt3A_454 : vector<16xi32>
      %and3A = arith.andi %ge3A_453, %lt3A_455 : vector<16xi1>
      %jit3A = arith.constant 0 : i32
      %broadcast_in_dim3A_456 = vector.broadcast %jit3A : i32 to vector<16xi32>
      %select_n3A = arith.select %and3A, %sub3A_451, %broadcast_in_dim3A_456 : vector<16xi1>, vector<16xi32>
      %mul3A_457 = arith.constant 16 : i32
      %mul3A_458 = arith.muli %scan3A_445, %mul3A_457 : i32
      %add3A_459 = vector.broadcast %mul3A_458 : i32 to vector<16xi32>
      %add3A_460 = arith.addi %iota3A, %add3A_459 : vector<16xi32>
      tpu.vector_store_idx %arg8[%select_n3A, %add3A_460], %broadcast_in_dim3A_3 masked %and3A : memref<80x512xf32, #tpu.memory_space<vmem>>[vector<16xi32>, vector<16xi32>], vector<16xf32>, vector<16xi1>
      %scan3A_461 = arith.constant 0 : i32
      scf.yield %scan3A_461 : i32
    }
    %scan3A_169 = arith.constant 32 : i32
    %scan3A_170 = arith.constant 0 : i32
    %scan3A_171 = arith.constant 0 : i32
    %scan3A_172 = arith.constant 32 : i32
    %scan3A_173 = arith.addi %scan3A_171, %scan3A_172 : i32
    %scan3A_174 = arith.constant 1 : i32
    %scan3A_175 = scf.for %scan3A_445 = %scan3A_171 to %scan3A_173 step %scan3A_174 iter_args(%scan3A_446 = %scan3A_170) -> (i32)  : i32 {
      %mul3A_447 = arith.constant 16 : i32
      %mul3A_448 = arith.muli %scan3A_445, %mul3A_447 : i32
      %get3A = arith.index_cast %mul3A_448 : i32 to index
      %get3A_449 = tpu.vector_load %arg5[%get3A] {strides = array<i32>} : memref<512xi32, #tpu.memory_space<vmem>>, vector<16xi32>,
      %gather3A = tpu.vector_load_idx %arg6[%get3A_449] : memref<128xi32, #tpu.memory_space<vmem>>[vector<16xi32>], vector<16xi32>,
      %sub3A = arith.constant 400 : i32
      %sub3A_450 = vector.broadcast %sub3A : i32 to vector<16xi32>
      %sub3A_451 = arith.subi %gather3A, %sub3A_450 : vector<16xi32>
      %ge3A = arith.constant 0 : i32
      %ge3A_452 = vector.broadcast %ge3A : i32 to vector<16xi32>
      %ge3A_453 = arith.cmpi sge, %sub3A_451, %ge3A_452 : vector<16xi32>
      %lt3A = arith.constant 80 : i32
      %lt3A_454 = vector.broadcast %lt3A : i32 to vector<16xi32>
      %lt3A_455 = arith.cmpi slt, %sub3A_451, %lt3A_454 : vector<16xi32>
      %and3A = arith.andi %ge3A_453, %lt3A_455 : vector<16xi1>
      %jit3A = arith.constant 0 : i32
      %broadcast_in_dim3A_456 = vector.broadcast %jit3A : i32 to vector<16xi32>
      %select_n3A = arith.select %and3A, %sub3A_451, %broadcast_in_dim3A_456 : vector<16xi1>, vector<16xi32>
      %mul3A_457 = arith.constant 16 : i32
      %mul3A_458 = arith.muli %scan3A_445, %mul3A_457 : i32
      %add3A_459 = vector.broadcast %mul3A_458 : i32 to vector<16xi32>
      %add3A_460 = arith.addi %iota3A, %add3A_459 : vector<16xi32>
      tpu.vector_store_idx %arg8[%select_n3A, %add3A_460], %broadcast_in_dim3A_5 masked %and3A : memref<80x512xf32, #tpu.memory_space<vmem>>[vector<16xi32>, vector<16xi32>], vector<16xf32>, vector<16xi1>
      %scan3A_461 = arith.constant 0 : i32
      scf.yield %scan3A_461 : i32
    }
    %scan3A_176 = arith.constant 32 : i32
    %dma_start3A_177 = arith.constant 0 : i32
    %dma_start3A_178 = arith.constant 0 : i32
    %dma_start3A_179 = tpu.memref_slice %arg8[%dma_start3A_177, %dma_start3A_178] : memref<80x512xf32, #tpu.memory_space<vmem>> -> memref<80x512xf32, #tpu.memory_space<vmem>>
    %dma_start3A_180 = arith.constant 400 : i32
    %dma_start3A_181 = tpu.memref_slice %arg4[%dma_start3A_180, %mul3A_2] : memref<1000x16384xf32, #tpu.memory_space<hbm>> -> memref<80x512xf32, #tpu.memory_space<hbm>>
    %dma_start3A_182 = arith.constant 400 : i32
    %dma_start3A_183 = tpu.memref_slice %arg4[%dma_start3A_182, %mul3A_2] : memref<1000x16384xf32, #tpu.memory_space<hbm>> -> memref<80x512xf32, #tpu.memory_space<hbm>>
    %dma_start3A_184 = arith.constant 0 : i32
    %dma_start3A_185 = arith.constant 0 : i32
    %dma_start3A_186 = tpu.memref_slice %arg8[%dma_start3A_184, %dma_start3A_185] : memref<80x512xf32, #tpu.memory_space<vmem>> -> memref<80x512xf32, #tpu.memory_space<vmem>>
    tpu.enqueue_dma source(%dma_start3A_186 : memref<80x512xf32, #tpu.memory_space<vmem>>) target(%dma_start3A_183 : memref<80x512xf32, #tpu.memory_space<hbm>>) target_semaphore(%arg10 : memref<!tpu.dma_semaphore, #tpu.memory_space<semaphore_mem>>)
    %dma_wait3A_187 = arith.constant 0 : i32
    %dma_wait3A_188 = arith.constant 0 : i32
    %dma_wait3A_189 = tpu.memref_slice %arg7[%dma_wait3A_187, %dma_wait3A_188] : memref<80x512xf32, #tpu.memory_space<vmem>> -> memref<80x512xf32, #tpu.memory_space<vmem>>
    %dma_wait3A_190 = arith.constant 320 : i32
    %dma_wait3A_191 = tpu.memref_slice %arg4[%dma_wait3A_190, %mul3A_2] : memref<1000x16384xf32, #tpu.memory_space<hbm>> -> memref<80x512xf32, #tpu.memory_space<hbm>>
    %dma_wait3A_192 = arith.constant 320 : i32
    %dma_wait3A_193 = tpu.memref_slice %arg4[%dma_wait3A_192, %mul3A_2] : memref<1000x16384xf32, #tpu.memory_space<hbm>> -> memref<80x512xf32, #tpu.memory_space<hbm>>
    %dma_wait3A_194 = arith.constant 0 : i32
    %dma_wait3A_195 = arith.constant 0 : i32
    %dma_wait3A_196 = tpu.memref_slice %arg7[%dma_wait3A_194, %dma_wait3A_195] : memref<80x512xf32, #tpu.memory_space<vmem>> -> memref<80x512xf32, #tpu.memory_space<vmem>>
    tpu.wait_dma2 semaphore(%arg9 : memref<!tpu.dma_semaphore, #tpu.memory_space<semaphore_mem>>) src(%dma_wait3A_196 : memref<80x512xf32, #tpu.memory_space<vmem>>) dst(%dma_wait3A_193 : memref<80x512xf32, #tpu.memory_space<hbm>>)
    %scan3A_197 = arith.constant 0 : i32
    %scan3A_198 = arith.constant 0 : i32
    %scan3A_199 = arith.constant 32 : i32
    %scan3A_200 = arith.addi %scan3A_198, %scan3A_199 : i32
    %scan3A_201 = arith.constant 1 : i32
    %scan3A_202 = scf.for %scan3A_445 = %scan3A_198 to %scan3A_200 step %scan3A_201 iter_args(%scan3A_446 = %scan3A_197) -> (i32)  : i32 {
      %mul3A_447 = arith.constant 16 : i32
      %mul3A_448 = arith.muli %scan3A_445, %mul3A_447 : i32
      %get3A = arith.index_cast %mul3A_448 : i32 to index
      %get3A_449 = tpu.vector_load %arg5[%get3A] {strides = array<i32>} : memref<512xi32, #tpu.memory_space<vmem>>, vector<16xi32>,
      %gather3A = tpu.vector_load_idx %arg6[%get3A_449] : memref<128xi32, #tpu.memory_space<vmem>>[vector<16xi32>], vector<16xi32>,
      %sub3A = arith.constant 320 : i32
      %sub3A_450 = vector.broadcast %sub3A : i32 to vector<16xi32>
      %sub3A_451 = arith.subi %gather3A, %sub3A_450 : vector<16xi32>
      %ge3A = arith.constant 0 : i32
      %ge3A_452 = vector.broadcast %ge3A : i32 to vector<16xi32>
      %ge3A_453 = arith.cmpi sge, %sub3A_451, %ge3A_452 : vector<16xi32>
      %lt3A = arith.constant 80 : i32
      %lt3A_454 = vector.broadcast %lt3A : i32 to vector<16xi32>
      %lt3A_455 = arith.cmpi slt, %sub3A_451, %lt3A_454 : vector<16xi32>
      %and3A = arith.andi %ge3A_453, %lt3A_455 : vector<16xi1>
      %jit3A = arith.constant 0 : i32
      %broadcast_in_dim3A_456 = vector.broadcast %jit3A : i32 to vector<16xi32>
      %select_n3A = arith.select %and3A, %sub3A_451, %broadcast_in_dim3A_456 : vector<16xi1>, vector<16xi32>
      %mul3A_457 = arith.constant 16 : i32
      %mul3A_458 = arith.muli %scan3A_445, %mul3A_457 : i32
      %add3A_459 = vector.broadcast %mul3A_458 : i32 to vector<16xi32>
      %add3A_460 = arith.addi %iota3A, %add3A_459 : vector<16xi32>
      tpu.vector_store_idx %arg7[%select_n3A, %add3A_460], %broadcast_in_dim3A_3 masked %and3A : memref<80x512xf32, #tpu.memory_space<vmem>>[vector<16xi32>, vector<16xi32>], vector<16xf32>, vector<16xi1>
      %scan3A_461 = arith.constant 0 : i32
      scf.yield %scan3A_461 : i32
    }
    %scan3A_203 = arith.constant 32 : i32
    %scan3A_204 = arith.constant 0 : i32
    %scan3A_205 = arith.constant 0 : i32
    %scan3A_206 = arith.constant 32 : i32
    %scan3A_207 = arith.addi %scan3A_205, %scan3A_206 : i32
    %scan3A_208 = arith.constant 1 : i32
    %scan3A_209 = scf.for %scan3A_445 = %scan3A_205 to %scan3A_207 step %scan3A_208 iter_args(%scan3A_446 = %scan3A_204) -> (i32)  : i32 {
      %mul3A_447 = arith.constant 16 : i32
      %mul3A_448 = arith.muli %scan3A_445, %mul3A_447 : i32
      %get3A = arith.index_cast %mul3A_448 : i32 to index
      %get3A_449 = tpu.vector_load %arg5[%get3A] {strides = array<i32>} : memref<512xi32, #tpu.memory_space<vmem>>, vector<16xi32>,
      %gather3A = tpu.vector_load_idx %arg6[%get3A_449] : memref<128xi32, #tpu.memory_space<vmem>>[vector<16xi32>], vector<16xi32>,
      %sub3A = arith.constant 480 : i32
      %sub3A_450 = vector.broadcast %sub3A : i32 to vector<16xi32>
      %sub3A_451 = arith.subi %gather3A, %sub3A_450 : vector<16xi32>
      %ge3A = arith.constant 0 : i32
      %ge3A_452 = vector.broadcast %ge3A : i32 to vector<16xi32>
      %ge3A_453 = arith.cmpi sge, %sub3A_451, %ge3A_452 : vector<16xi32>
      %lt3A = arith.constant 80 : i32
      %lt3A_454 = vector.broadcast %lt3A : i32 to vector<16xi32>
      %lt3A_455 = arith.cmpi slt, %sub3A_451, %lt3A_454 : vector<16xi32>
      %and3A = arith.andi %ge3A_453, %lt3A_455 : vector<16xi1>
      %jit3A = arith.constant 0 : i32
      %broadcast_in_dim3A_456 = vector.broadcast %jit3A : i32 to vector<16xi32>
      %select_n3A = arith.select %and3A, %sub3A_451, %broadcast_in_dim3A_456 : vector<16xi1>, vector<16xi32>
      %mul3A_457 = arith.constant 16 : i32
      %mul3A_458 = arith.muli %scan3A_445, %mul3A_457 : i32
      %add3A_459 = vector.broadcast %mul3A_458 : i32 to vector<16xi32>
      %add3A_460 = arith.addi %iota3A, %add3A_459 : vector<16xi32>
      tpu.vector_store_idx %arg7[%select_n3A, %add3A_460], %broadcast_in_dim3A_5 masked %and3A : memref<80x512xf32, #tpu.memory_space<vmem>>[vector<16xi32>, vector<16xi32>], vector<16xf32>, vector<16xi1>
      %scan3A_461 = arith.constant 0 : i32
      scf.yield %scan3A_461 : i32
    }
    %scan3A_210 = arith.constant 32 : i32
    %dma_start3A_211 = arith.constant 0 : i32
    %dma_start3A_212 = arith.constant 0 : i32
    %dma_start3A_213 = tpu.memref_slice %arg7[%dma_start3A_211, %dma_start3A_212] : memref<80x512xf32, #tpu.memory_space<vmem>> -> memref<80x512xf32, #tpu.memory_space<vmem>>
    %dma_start3A_214 = arith.constant 480 : i32
    %dma_start3A_215 = tpu.memref_slice %arg4[%dma_start3A_214, %mul3A_2] : memref<1000x16384xf32, #tpu.memory_space<hbm>> -> memref<80x512xf32, #tpu.memory_space<hbm>>
    %dma_start3A_216 = arith.constant 480 : i32
    %dma_start3A_217 = tpu.memref_slice %arg4[%dma_start3A_216, %mul3A_2] : memref<1000x16384xf32, #tpu.memory_space<hbm>> -> memref<80x512xf32, #tpu.memory_space<hbm>>
    %dma_start3A_218 = arith.constant 0 : i32
    %dma_start3A_219 = arith.constant 0 : i32
    %dma_start3A_220 = tpu.memref_slice %arg7[%dma_start3A_218, %dma_start3A_219] : memref<80x512xf32, #tpu.memory_space<vmem>> -> memref<80x512xf32, #tpu.memory_space<vmem>>
    tpu.enqueue_dma source(%dma_start3A_220 : memref<80x512xf32, #tpu.memory_space<vmem>>) target(%dma_start3A_217 : memref<80x512xf32, #tpu.memory_space<hbm>>) target_semaphore(%arg9 : memref<!tpu.dma_semaphore, #tpu.memory_space<semaphore_mem>>)
    %dma_wait3A_221 = arith.constant 0 : i32
    %dma_wait3A_222 = arith.constant 0 : i32
    %dma_wait3A_223 = tpu.memref_slice %arg8[%dma_wait3A_221, %dma_wait3A_222] : memref<80x512xf32, #tpu.memory_space<vmem>> -> memref<80x512xf32, #tpu.memory_space<vmem>>
    %dma_wait3A_224 = arith.constant 400 : i32
    %dma_wait3A_225 = tpu.memref_slice %arg4[%dma_wait3A_224, %mul3A_2] : memref<1000x16384xf32, #tpu.memory_space<hbm>> -> memref<80x512xf32, #tpu.memory_space<hbm>>
    %dma_wait3A_226 = arith.constant 400 : i32
    %dma_wait3A_227 = tpu.memref_slice %arg4[%dma_wait3A_226, %mul3A_2] : memref<1000x16384xf32, #tpu.memory_space<hbm>> -> memref<80x512xf32, #tpu.memory_space<hbm>>
    %dma_wait3A_228 = arith.constant 0 : i32
    %dma_wait3A_229 = arith.constant 0 : i32
    %dma_wait3A_230 = tpu.memref_slice %arg8[%dma_wait3A_228, %dma_wait3A_229] : memref<80x512xf32, #tpu.memory_space<vmem>> -> memref<80x512xf32, #tpu.memory_space<vmem>>
    tpu.wait_dma2 semaphore(%arg10 : memref<!tpu.dma_semaphore, #tpu.memory_space<semaphore_mem>>) src(%dma_wait3A_230 : memref<80x512xf32, #tpu.memory_space<vmem>>) dst(%dma_wait3A_227 : memref<80x512xf32, #tpu.memory_space<hbm>>)
    %scan3A_231 = arith.constant 0 : i32
    %scan3A_232 = arith.constant 0 : i32
    %scan3A_233 = arith.constant 32 : i32
    %scan3A_234 = arith.addi %scan3A_232, %scan3A_233 : i32
    %scan3A_235 = arith.constant 1 : i32
    %scan3A_236 = scf.for %scan3A_445 = %scan3A_232 to %scan3A_234 step %scan3A_235 iter_args(%scan3A_446 = %scan3A_231) -> (i32)  : i32 {
      %mul3A_447 = arith.constant 16 : i32
      %mul3A_448 = arith.muli %scan3A_445, %mul3A_447 : i32
      %get3A = arith.index_cast %mul3A_448 : i32 to index
      %get3A_449 = tpu.vector_load %arg5[%get3A] {strides = array<i32>} : memref<512xi32, #tpu.memory_space<vmem>>, vector<16xi32>,
      %gather3A = tpu.vector_load_idx %arg6[%get3A_449] : memref<128xi32, #tpu.memory_space<vmem>>[vector<16xi32>], vector<16xi32>,
      %sub3A = arith.constant 400 : i32
      %sub3A_450 = vector.broadcast %sub3A : i32 to vector<16xi32>
      %sub3A_451 = arith.subi %gather3A, %sub3A_450 : vector<16xi32>
      %ge3A = arith.constant 0 : i32
      %ge3A_452 = vector.broadcast %ge3A : i32 to vector<16xi32>
      %ge3A_453 = arith.cmpi sge, %sub3A_451, %ge3A_452 : vector<16xi32>
      %lt3A = arith.constant 80 : i32
      %lt3A_454 = vector.broadcast %lt3A : i32 to vector<16xi32>
      %lt3A_455 = arith.cmpi slt, %sub3A_451, %lt3A_454 : vector<16xi32>
      %and3A = arith.andi %ge3A_453, %lt3A_455 : vector<16xi1>
      %jit3A = arith.constant 0 : i32
      %broadcast_in_dim3A_456 = vector.broadcast %jit3A : i32 to vector<16xi32>
      %select_n3A = arith.select %and3A, %sub3A_451, %broadcast_in_dim3A_456 : vector<16xi1>, vector<16xi32>
      %mul3A_457 = arith.constant 16 : i32
      %mul3A_458 = arith.muli %scan3A_445, %mul3A_457 : i32
      %add3A_459 = vector.broadcast %mul3A_458 : i32 to vector<16xi32>
      %add3A_460 = arith.addi %iota3A, %add3A_459 : vector<16xi32>
      tpu.vector_store_idx %arg8[%select_n3A, %add3A_460], %broadcast_in_dim3A_3 masked %and3A : memref<80x512xf32, #tpu.memory_space<vmem>>[vector<16xi32>, vector<16xi32>], vector<16xf32>, vector<16xi1>
      %scan3A_461 = arith.constant 0 : i32
      scf.yield %scan3A_461 : i32
    }
    %scan3A_237 = arith.constant 32 : i32
    %scan3A_238 = arith.constant 0 : i32
    %scan3A_239 = arith.constant 0 : i32
    %scan3A_240 = arith.constant 32 : i32
    %scan3A_241 = arith.addi %scan3A_239, %scan3A_240 : i32
    %scan3A_242 = arith.constant 1 : i32
    %scan3A_243 = scf.for %scan3A_445 = %scan3A_239 to %scan3A_241 step %scan3A_242 iter_args(%scan3A_446 = %scan3A_238) -> (i32)  : i32 {
      %mul3A_447 = arith.constant 16 : i32
      %mul3A_448 = arith.muli %scan3A_445, %mul3A_447 : i32
      %get3A = arith.index_cast %mul3A_448 : i32 to index
      %get3A_449 = tpu.vector_load %arg5[%get3A] {strides = array<i32>} : memref<512xi32, #tpu.memory_space<vmem>>, vector<16xi32>,
      %gather3A = tpu.vector_load_idx %arg6[%get3A_449] : memref<128xi32, #tpu.memory_space<vmem>>[vector<16xi32>], vector<16xi32>,
      %sub3A = arith.constant 560 : i32
      %sub3A_450 = vector.broadcast %sub3A : i32 to vector<16xi32>
      %sub3A_451 = arith.subi %gather3A, %sub3A_450 : vector<16xi32>
      %ge3A = arith.constant 0 : i32
      %ge3A_452 = vector.broadcast %ge3A : i32 to vector<16xi32>
      %ge3A_453 = arith.cmpi sge, %sub3A_451, %ge3A_452 : vector<16xi32>
      %lt3A = arith.constant 80 : i32
      %lt3A_454 = vector.broadcast %lt3A : i32 to vector<16xi32>
      %lt3A_455 = arith.cmpi slt, %sub3A_451, %lt3A_454 : vector<16xi32>
      %and3A = arith.andi %ge3A_453, %lt3A_455 : vector<16xi1>
      %jit3A = arith.constant 0 : i32
      %broadcast_in_dim3A_456 = vector.broadcast %jit3A : i32 to vector<16xi32>
      %select_n3A = arith.select %and3A, %sub3A_451, %broadcast_in_dim3A_456 : vector<16xi1>, vector<16xi32>
      %mul3A_457 = arith.constant 16 : i32
      %mul3A_458 = arith.muli %scan3A_445, %mul3A_457 : i32
      %add3A_459 = vector.broadcast %mul3A_458 : i32 to vector<16xi32>
      %add3A_460 = arith.addi %iota3A, %add3A_459 : vector<16xi32>
      tpu.vector_store_idx %arg8[%select_n3A, %add3A_460], %broadcast_in_dim3A_5 masked %and3A : memref<80x512xf32, #tpu.memory_space<vmem>>[vector<16xi32>, vector<16xi32>], vector<16xf32>, vector<16xi1>
      %scan3A_461 = arith.constant 0 : i32
      scf.yield %scan3A_461 : i32
    }
    %scan3A_244 = arith.constant 32 : i32
    %dma_start3A_245 = arith.constant 0 : i32
    %dma_start3A_246 = arith.constant 0 : i32
    %dma_start3A_247 = tpu.memref_slice %arg8[%dma_start3A_245, %dma_start3A_246] : memref<80x512xf32, #tpu.memory_space<vmem>> -> memref<80x512xf32, #tpu.memory_space<vmem>>
    %dma_start3A_248 = arith.constant 560 : i32
    %dma_start3A_249 = tpu.memref_slice %arg4[%dma_start3A_248, %mul3A_2] : memref<1000x16384xf32, #tpu.memory_space<hbm>> -> memref<80x512xf32, #tpu.memory_space<hbm>>
    %dma_start3A_250 = arith.constant 560 : i32
    %dma_start3A_251 = tpu.memref_slice %arg4[%dma_start3A_250, %mul3A_2] : memref<1000x16384xf32, #tpu.memory_space<hbm>> -> memref<80x512xf32, #tpu.memory_space<hbm>>
    %dma_start3A_252 = arith.constant 0 : i32
    %dma_start3A_253 = arith.constant 0 : i32
    %dma_start3A_254 = tpu.memref_slice %arg8[%dma_start3A_252, %dma_start3A_253] : memref<80x512xf32, #tpu.memory_space<vmem>> -> memref<80x512xf32, #tpu.memory_space<vmem>>
    tpu.enqueue_dma source(%dma_start3A_254 : memref<80x512xf32, #tpu.memory_space<vmem>>) target(%dma_start3A_251 : memref<80x512xf32, #tpu.memory_space<hbm>>) target_semaphore(%arg10 : memref<!tpu.dma_semaphore, #tpu.memory_space<semaphore_mem>>)
    %dma_wait3A_255 = arith.constant 0 : i32
    %dma_wait3A_256 = arith.constant 0 : i32
    %dma_wait3A_257 = tpu.memref_slice %arg7[%dma_wait3A_255, %dma_wait3A_256] : memref<80x512xf32, #tpu.memory_space<vmem>> -> memref<80x512xf32, #tpu.memory_space<vmem>>
    %dma_wait3A_258 = arith.constant 480 : i32
    %dma_wait3A_259 = tpu.memref_slice %arg4[%dma_wait3A_258, %mul3A_2] : memref<1000x16384xf32, #tpu.memory_space<hbm>> -> memref<80x512xf32, #tpu.memory_space<hbm>>
    %dma_wait3A_260 = arith.constant 480 : i32
    %dma_wait3A_261 = tpu.memref_slice %arg4[%dma_wait3A_260, %mul3A_2] : memref<1000x16384xf32, #tpu.memory_space<hbm>> -> memref<80x512xf32, #tpu.memory_space<hbm>>
    %dma_wait3A_262 = arith.constant 0 : i32
    %dma_wait3A_263 = arith.constant 0 : i32
    %dma_wait3A_264 = tpu.memref_slice %arg7[%dma_wait3A_262, %dma_wait3A_263] : memref<80x512xf32, #tpu.memory_space<vmem>> -> memref<80x512xf32, #tpu.memory_space<vmem>>
    tpu.wait_dma2 semaphore(%arg9 : memref<!tpu.dma_semaphore, #tpu.memory_space<semaphore_mem>>) src(%dma_wait3A_264 : memref<80x512xf32, #tpu.memory_space<vmem>>) dst(%dma_wait3A_261 : memref<80x512xf32, #tpu.memory_space<hbm>>)
    %scan3A_265 = arith.constant 0 : i32
    %scan3A_266 = arith.constant 0 : i32
    %scan3A_267 = arith.constant 32 : i32
    %scan3A_268 = arith.addi %scan3A_266, %scan3A_267 : i32
    %scan3A_269 = arith.constant 1 : i32
    %scan3A_270 = scf.for %scan3A_445 = %scan3A_266 to %scan3A_268 step %scan3A_269 iter_args(%scan3A_446 = %scan3A_265) -> (i32)  : i32 {
      %mul3A_447 = arith.constant 16 : i32
      %mul3A_448 = arith.muli %scan3A_445, %mul3A_447 : i32
      %get3A = arith.index_cast %mul3A_448 : i32 to index
      %get3A_449 = tpu.vector_load %arg5[%get3A] {strides = array<i32>} : memref<512xi32, #tpu.memory_space<vmem>>, vector<16xi32>,
      %gather3A = tpu.vector_load_idx %arg6[%get3A_449] : memref<128xi32, #tpu.memory_space<vmem>>[vector<16xi32>], vector<16xi32>,
      %sub3A = arith.constant 480 : i32
      %sub3A_450 = vector.broadcast %sub3A : i32 to vector<16xi32>
      %sub3A_451 = arith.subi %gather3A, %sub3A_450 : vector<16xi32>
      %ge3A = arith.constant 0 : i32
      %ge3A_452 = vector.broadcast %ge3A : i32 to vector<16xi32>
      %ge3A_453 = arith.cmpi sge, %sub3A_451, %ge3A_452 : vector<16xi32>
      %lt3A = arith.constant 80 : i32
      %lt3A_454 = vector.broadcast %lt3A : i32 to vector<16xi32>
      %lt3A_455 = arith.cmpi slt, %sub3A_451, %lt3A_454 : vector<16xi32>
      %and3A = arith.andi %ge3A_453, %lt3A_455 : vector<16xi1>
      %jit3A = arith.constant 0 : i32
      %broadcast_in_dim3A_456 = vector.broadcast %jit3A : i32 to vector<16xi32>
      %select_n3A = arith.select %and3A, %sub3A_451, %broadcast_in_dim3A_456 : vector<16xi1>, vector<16xi32>
      %mul3A_457 = arith.constant 16 : i32
      %mul3A_458 = arith.muli %scan3A_445, %mul3A_457 : i32
      %add3A_459 = vector.broadcast %mul3A_458 : i32 to vector<16xi32>
      %add3A_460 = arith.addi %iota3A, %add3A_459 : vector<16xi32>
      tpu.vector_store_idx %arg7[%select_n3A, %add3A_460], %broadcast_in_dim3A_3 masked %and3A : memref<80x512xf32, #tpu.memory_space<vmem>>[vector<16xi32>, vector<16xi32>], vector<16xf32>, vector<16xi1>
      %scan3A_461 = arith.constant 0 : i32
      scf.yield %scan3A_461 : i32
    }
    %scan3A_271 = arith.constant 32 : i32
    %scan3A_272 = arith.constant 0 : i32
    %scan3A_273 = arith.constant 0 : i32
    %scan3A_274 = arith.constant 32 : i32
    %scan3A_275 = arith.addi %scan3A_273, %scan3A_274 : i32
    %scan3A_276 = arith.constant 1 : i32
    %scan3A_277 = scf.for %scan3A_445 = %scan3A_273 to %scan3A_275 step %scan3A_276 iter_args(%scan3A_446 = %scan3A_272) -> (i32)  : i32 {
      %mul3A_447 = arith.constant 16 : i32
      %mul3A_448 = arith.muli %scan3A_445, %mul3A_447 : i32
      %get3A = arith.index_cast %mul3A_448 : i32 to index
      %get3A_449 = tpu.vector_load %arg5[%get3A] {strides = array<i32>} : memref<512xi32, #tpu.memory_space<vmem>>, vector<16xi32>,
      %gather3A = tpu.vector_load_idx %arg6[%get3A_449] : memref<128xi32, #tpu.memory_space<vmem>>[vector<16xi32>], vector<16xi32>,
      %sub3A = arith.constant 640 : i32
      %sub3A_450 = vector.broadcast %sub3A : i32 to vector<16xi32>
      %sub3A_451 = arith.subi %gather3A, %sub3A_450 : vector<16xi32>
      %ge3A = arith.constant 0 : i32
      %ge3A_452 = vector.broadcast %ge3A : i32 to vector<16xi32>
      %ge3A_453 = arith.cmpi sge, %sub3A_451, %ge3A_452 : vector<16xi32>
      %lt3A = arith.constant 80 : i32
      %lt3A_454 = vector.broadcast %lt3A : i32 to vector<16xi32>
      %lt3A_455 = arith.cmpi slt, %sub3A_451, %lt3A_454 : vector<16xi32>
      %and3A = arith.andi %ge3A_453, %lt3A_455 : vector<16xi1>
      %jit3A = arith.constant 0 : i32
      %broadcast_in_dim3A_456 = vector.broadcast %jit3A : i32 to vector<16xi32>
      %select_n3A = arith.select %and3A, %sub3A_451, %broadcast_in_dim3A_456 : vector<16xi1>, vector<16xi32>
      %mul3A_457 = arith.constant 16 : i32
      %mul3A_458 = arith.muli %scan3A_445, %mul3A_457 : i32
      %add3A_459 = vector.broadcast %mul3A_458 : i32 to vector<16xi32>
      %add3A_460 = arith.addi %iota3A, %add3A_459 : vector<16xi32>
      tpu.vector_store_idx %arg7[%select_n3A, %add3A_460], %broadcast_in_dim3A_5 masked %and3A : memref<80x512xf32, #tpu.memory_space<vmem>>[vector<16xi32>, vector<16xi32>], vector<16xf32>, vector<16xi1>
      %scan3A_461 = arith.constant 0 : i32
      scf.yield %scan3A_461 : i32
    }
    %scan3A_278 = arith.constant 32 : i32
    %dma_start3A_279 = arith.constant 0 : i32
    %dma_start3A_280 = arith.constant 0 : i32
    %dma_start3A_281 = tpu.memref_slice %arg7[%dma_start3A_279, %dma_start3A_280] : memref<80x512xf32, #tpu.memory_space<vmem>> -> memref<80x512xf32, #tpu.memory_space<vmem>>
    %dma_start3A_282 = arith.constant 640 : i32
    %dma_start3A_283 = tpu.memref_slice %arg4[%dma_start3A_282, %mul3A_2] : memref<1000x16384xf32, #tpu.memory_space<hbm>> -> memref<80x512xf32, #tpu.memory_space<hbm>>
    %dma_start3A_284 = arith.constant 640 : i32
    %dma_start3A_285 = tpu.memref_slice %arg4[%dma_start3A_284, %mul3A_2] : memref<1000x16384xf32, #tpu.memory_space<hbm>> -> memref<80x512xf32, #tpu.memory_space<hbm>>
    %dma_start3A_286 = arith.constant 0 : i32
    %dma_start3A_287 = arith.constant 0 : i32
    %dma_start3A_288 = tpu.memref_slice %arg7[%dma_start3A_286, %dma_start3A_287] : memref<80x512xf32, #tpu.memory_space<vmem>> -> memref<80x512xf32, #tpu.memory_space<vmem>>
    tpu.enqueue_dma source(%dma_start3A_288 : memref<80x512xf32, #tpu.memory_space<vmem>>) target(%dma_start3A_285 : memref<80x512xf32, #tpu.memory_space<hbm>>) target_semaphore(%arg9 : memref<!tpu.dma_semaphore, #tpu.memory_space<semaphore_mem>>)
    %dma_wait3A_289 = arith.constant 0 : i32
    %dma_wait3A_290 = arith.constant 0 : i32
    %dma_wait3A_291 = tpu.memref_slice %arg8[%dma_wait3A_289, %dma_wait3A_290] : memref<80x512xf32, #tpu.memory_space<vmem>> -> memref<80x512xf32, #tpu.memory_space<vmem>>
    %dma_wait3A_292 = arith.constant 560 : i32
    %dma_wait3A_293 = tpu.memref_slice %arg4[%dma_wait3A_292, %mul3A_2] : memref<1000x16384xf32, #tpu.memory_space<hbm>> -> memref<80x512xf32, #tpu.memory_space<hbm>>
    %dma_wait3A_294 = arith.constant 560 : i32
    %dma_wait3A_295 = tpu.memref_slice %arg4[%dma_wait3A_294, %mul3A_2] : memref<1000x16384xf32, #tpu.memory_space<hbm>> -> memref<80x512xf32, #tpu.memory_space<hbm>>
    %dma_wait3A_296 = arith.constant 0 : i32
    %dma_wait3A_297 = arith.constant 0 : i32
    %dma_wait3A_298 = tpu.memref_slice %arg8[%dma_wait3A_296, %dma_wait3A_297] : memref<80x512xf32, #tpu.memory_space<vmem>> -> memref<80x512xf32, #tpu.memory_space<vmem>>
    tpu.wait_dma2 semaphore(%arg10 : memref<!tpu.dma_semaphore, #tpu.memory_space<semaphore_mem>>) src(%dma_wait3A_298 : memref<80x512xf32, #tpu.memory_space<vmem>>) dst(%dma_wait3A_295 : memref<80x512xf32, #tpu.memory_space<hbm>>)
    %scan3A_299 = arith.constant 0 : i32
    %scan3A_300 = arith.constant 0 : i32
    %scan3A_301 = arith.constant 32 : i32
    %scan3A_302 = arith.addi %scan3A_300, %scan3A_301 : i32
    %scan3A_303 = arith.constant 1 : i32
    %scan3A_304 = scf.for %scan3A_445 = %scan3A_300 to %scan3A_302 step %scan3A_303 iter_args(%scan3A_446 = %scan3A_299) -> (i32)  : i32 {
      %mul3A_447 = arith.constant 16 : i32
      %mul3A_448 = arith.muli %scan3A_445, %mul3A_447 : i32
      %get3A = arith.index_cast %mul3A_448 : i32 to index
      %get3A_449 = tpu.vector_load %arg5[%get3A] {strides = array<i32>} : memref<512xi32, #tpu.memory_space<vmem>>, vector<16xi32>,
      %gather3A = tpu.vector_load_idx %arg6[%get3A_449] : memref<128xi32, #tpu.memory_space<vmem>>[vector<16xi32>], vector<16xi32>,
      %sub3A = arith.constant 560 : i32
      %sub3A_450 = vector.broadcast %sub3A : i32 to vector<16xi32>
      %sub3A_451 = arith.subi %gather3A, %sub3A_450 : vector<16xi32>
      %ge3A = arith.constant 0 : i32
      %ge3A_452 = vector.broadcast %ge3A : i32 to vector<16xi32>
      %ge3A_453 = arith.cmpi sge, %sub3A_451, %ge3A_452 : vector<16xi32>
      %lt3A = arith.constant 80 : i32
      %lt3A_454 = vector.broadcast %lt3A : i32 to vector<16xi32>
      %lt3A_455 = arith.cmpi slt, %sub3A_451, %lt3A_454 : vector<16xi32>
      %and3A = arith.andi %ge3A_453, %lt3A_455 : vector<16xi1>
      %jit3A = arith.constant 0 : i32
      %broadcast_in_dim3A_456 = vector.broadcast %jit3A : i32 to vector<16xi32>
      %select_n3A = arith.select %and3A, %sub3A_451, %broadcast_in_dim3A_456 : vector<16xi1>, vector<16xi32>
      %mul3A_457 = arith.constant 16 : i32
      %mul3A_458 = arith.muli %scan3A_445, %mul3A_457 : i32
      %add3A_459 = vector.broadcast %mul3A_458 : i32 to vector<16xi32>
      %add3A_460 = arith.addi %iota3A, %add3A_459 : vector<16xi32>
      tpu.vector_store_idx %arg8[%select_n3A, %add3A_460], %broadcast_in_dim3A_3 masked %and3A : memref<80x512xf32, #tpu.memory_space<vmem>>[vector<16xi32>, vector<16xi32>], vector<16xf32>, vector<16xi1>
      %scan3A_461 = arith.constant 0 : i32
      scf.yield %scan3A_461 : i32
    }
    %scan3A_305 = arith.constant 32 : i32
    %scan3A_306 = arith.constant 0 : i32
    %scan3A_307 = arith.constant 0 : i32
    %scan3A_308 = arith.constant 32 : i32
    %scan3A_309 = arith.addi %scan3A_307, %scan3A_308 : i32
    %scan3A_310 = arith.constant 1 : i32
    %scan3A_311 = scf.for %scan3A_445 = %scan3A_307 to %scan3A_309 step %scan3A_310 iter_args(%scan3A_446 = %scan3A_306) -> (i32)  : i32 {
      %mul3A_447 = arith.constant 16 : i32
      %mul3A_448 = arith.muli %scan3A_445, %mul3A_447 : i32
      %get3A = arith.index_cast %mul3A_448 : i32 to index
      %get3A_449 = tpu.vector_load %arg5[%get3A] {strides = array<i32>} : memref<512xi32, #tpu.memory_space<vmem>>, vector<16xi32>,
      %gather3A = tpu.vector_load_idx %arg6[%get3A_449] : memref<128xi32, #tpu.memory_space<vmem>>[vector<16xi32>], vector<16xi32>,
      %sub3A = arith.constant 720 : i32
      %sub3A_450 = vector.broadcast %sub3A : i32 to vector<16xi32>
      %sub3A_451 = arith.subi %gather3A, %sub3A_450 : vector<16xi32>
      %ge3A = arith.constant 0 : i32
      %ge3A_452 = vector.broadcast %ge3A : i32 to vector<16xi32>
      %ge3A_453 = arith.cmpi sge, %sub3A_451, %ge3A_452 : vector<16xi32>
      %lt3A = arith.constant 80 : i32
      %lt3A_454 = vector.broadcast %lt3A : i32 to vector<16xi32>
      %lt3A_455 = arith.cmpi slt, %sub3A_451, %lt3A_454 : vector<16xi32>
      %and3A = arith.andi %ge3A_453, %lt3A_455 : vector<16xi1>
      %jit3A = arith.constant 0 : i32
      %broadcast_in_dim3A_456 = vector.broadcast %jit3A : i32 to vector<16xi32>
      %select_n3A = arith.select %and3A, %sub3A_451, %broadcast_in_dim3A_456 : vector<16xi1>, vector<16xi32>
      %mul3A_457 = arith.constant 16 : i32
      %mul3A_458 = arith.muli %scan3A_445, %mul3A_457 : i32
      %add3A_459 = vector.broadcast %mul3A_458 : i32 to vector<16xi32>
      %add3A_460 = arith.addi %iota3A, %add3A_459 : vector<16xi32>
      tpu.vector_store_idx %arg8[%select_n3A, %add3A_460], %broadcast_in_dim3A_5 masked %and3A : memref<80x512xf32, #tpu.memory_space<vmem>>[vector<16xi32>, vector<16xi32>], vector<16xf32>, vector<16xi1>
      %scan3A_461 = arith.constant 0 : i32
      scf.yield %scan3A_461 : i32
    }
    %scan3A_312 = arith.constant 32 : i32
    %dma_start3A_313 = arith.constant 0 : i32
    %dma_start3A_314 = arith.constant 0 : i32
    %dma_start3A_315 = tpu.memref_slice %arg8[%dma_start3A_313, %dma_start3A_314] : memref<80x512xf32, #tpu.memory_space<vmem>> -> memref<80x512xf32, #tpu.memory_space<vmem>>
    %dma_start3A_316 = arith.constant 720 : i32
    %dma_start3A_317 = tpu.memref_slice %arg4[%dma_start3A_316, %mul3A_2] : memref<1000x16384xf32, #tpu.memory_space<hbm>> -> memref<80x512xf32, #tpu.memory_space<hbm>>
    %dma_start3A_318 = arith.constant 720 : i32
    %dma_start3A_319 = tpu.memref_slice %arg4[%dma_start3A_318, %mul3A_2] : memref<1000x16384xf32, #tpu.memory_space<hbm>> -> memref<80x512xf32, #tpu.memory_space<hbm>>
    %dma_start3A_320 = arith.constant 0 : i32
    %dma_start3A_321 = arith.constant 0 : i32
    %dma_start3A_322 = tpu.memref_slice %arg8[%dma_start3A_320, %dma_start3A_321] : memref<80x512xf32, #tpu.memory_space<vmem>> -> memref<80x512xf32, #tpu.memory_space<vmem>>
    tpu.enqueue_dma source(%dma_start3A_322 : memref<80x512xf32, #tpu.memory_space<vmem>>) target(%dma_start3A_319 : memref<80x512xf32, #tpu.memory_space<hbm>>) target_semaphore(%arg10 : memref<!tpu.dma_semaphore, #tpu.memory_space<semaphore_mem>>)
    %dma_wait3A_323 = arith.constant 0 : i32
    %dma_wait3A_324 = arith.constant 0 : i32
    %dma_wait3A_325 = tpu.memref_slice %arg7[%dma_wait3A_323, %dma_wait3A_324] : memref<80x512xf32, #tpu.memory_space<vmem>> -> memref<80x512xf32, #tpu.memory_space<vmem>>
    %dma_wait3A_326 = arith.constant 640 : i32
    %dma_wait3A_327 = tpu.memref_slice %arg4[%dma_wait3A_326, %mul3A_2] : memref<1000x16384xf32, #tpu.memory_space<hbm>> -> memref<80x512xf32, #tpu.memory_space<hbm>>
    %dma_wait3A_328 = arith.constant 640 : i32
    %dma_wait3A_329 = tpu.memref_slice %arg4[%dma_wait3A_328, %mul3A_2] : memref<1000x16384xf32, #tpu.memory_space<hbm>> -> memref<80x512xf32, #tpu.memory_space<hbm>>
    %dma_wait3A_330 = arith.constant 0 : i32
    %dma_wait3A_331 = arith.constant 0 : i32
    %dma_wait3A_332 = tpu.memref_slice %arg7[%dma_wait3A_330, %dma_wait3A_331] : memref<80x512xf32, #tpu.memory_space<vmem>> -> memref<80x512xf32, #tpu.memory_space<vmem>>
    tpu.wait_dma2 semaphore(%arg9 : memref<!tpu.dma_semaphore, #tpu.memory_space<semaphore_mem>>) src(%dma_wait3A_332 : memref<80x512xf32, #tpu.memory_space<vmem>>) dst(%dma_wait3A_329 : memref<80x512xf32, #tpu.memory_space<hbm>>)
    %scan3A_333 = arith.constant 0 : i32
    %scan3A_334 = arith.constant 0 : i32
    %scan3A_335 = arith.constant 32 : i32
    %scan3A_336 = arith.addi %scan3A_334, %scan3A_335 : i32
    %scan3A_337 = arith.constant 1 : i32
    %scan3A_338 = scf.for %scan3A_445 = %scan3A_334 to %scan3A_336 step %scan3A_337 iter_args(%scan3A_446 = %scan3A_333) -> (i32)  : i32 {
      %mul3A_447 = arith.constant 16 : i32
      %mul3A_448 = arith.muli %scan3A_445, %mul3A_447 : i32
      %get3A = arith.index_cast %mul3A_448 : i32 to index
      %get3A_449 = tpu.vector_load %arg5[%get3A] {strides = array<i32>} : memref<512xi32, #tpu.memory_space<vmem>>, vector<16xi32>,
      %gather3A = tpu.vector_load_idx %arg6[%get3A_449] : memref<128xi32, #tpu.memory_space<vmem>>[vector<16xi32>], vector<16xi32>,
      %sub3A = arith.constant 640 : i32
      %sub3A_450 = vector.broadcast %sub3A : i32 to vector<16xi32>
      %sub3A_451 = arith.subi %gather3A, %sub3A_450 : vector<16xi32>
      %ge3A = arith.constant 0 : i32
      %ge3A_452 = vector.broadcast %ge3A : i32 to vector<16xi32>
      %ge3A_453 = arith.cmpi sge, %sub3A_451, %ge3A_452 : vector<16xi32>
      %lt3A = arith.constant 80 : i32
      %lt3A_454 = vector.broadcast %lt3A : i32 to vector<16xi32>
      %lt3A_455 = arith.cmpi slt, %sub3A_451, %lt3A_454 : vector<16xi32>
      %and3A = arith.andi %ge3A_453, %lt3A_455 : vector<16xi1>
      %jit3A = arith.constant 0 : i32
      %broadcast_in_dim3A_456 = vector.broadcast %jit3A : i32 to vector<16xi32>
      %select_n3A = arith.select %and3A, %sub3A_451, %broadcast_in_dim3A_456 : vector<16xi1>, vector<16xi32>
      %mul3A_457 = arith.constant 16 : i32
      %mul3A_458 = arith.muli %scan3A_445, %mul3A_457 : i32
      %add3A_459 = vector.broadcast %mul3A_458 : i32 to vector<16xi32>
      %add3A_460 = arith.addi %iota3A, %add3A_459 : vector<16xi32>
      tpu.vector_store_idx %arg7[%select_n3A, %add3A_460], %broadcast_in_dim3A_3 masked %and3A : memref<80x512xf32, #tpu.memory_space<vmem>>[vector<16xi32>, vector<16xi32>], vector<16xf32>, vector<16xi1>
      %scan3A_461 = arith.constant 0 : i32
      scf.yield %scan3A_461 : i32
    }
    %scan3A_339 = arith.constant 32 : i32
    %scan3A_340 = arith.constant 0 : i32
    %scan3A_341 = arith.constant 0 : i32
    %scan3A_342 = arith.constant 32 : i32
    %scan3A_343 = arith.addi %scan3A_341, %scan3A_342 : i32
    %scan3A_344 = arith.constant 1 : i32
    %scan3A_345 = scf.for %scan3A_445 = %scan3A_341 to %scan3A_343 step %scan3A_344 iter_args(%scan3A_446 = %scan3A_340) -> (i32)  : i32 {
      %mul3A_447 = arith.constant 16 : i32
      %mul3A_448 = arith.muli %scan3A_445, %mul3A_447 : i32
      %get3A = arith.index_cast %mul3A_448 : i32 to index
      %get3A_449 = tpu.vector_load %arg5[%get3A] {strides = array<i32>} : memref<512xi32, #tpu.memory_space<vmem>>, vector<16xi32>,
      %gather3A = tpu.vector_load_idx %arg6[%get3A_449] : memref<128xi32, #tpu.memory_space<vmem>>[vector<16xi32>], vector<16xi32>,
      %sub3A = arith.constant 800 : i32
      %sub3A_450 = vector.broadcast %sub3A : i32 to vector<16xi32>
      %sub3A_451 = arith.subi %gather3A, %sub3A_450 : vector<16xi32>
      %ge3A = arith.constant 0 : i32
      %ge3A_452 = vector.broadcast %ge3A : i32 to vector<16xi32>
      %ge3A_453 = arith.cmpi sge, %sub3A_451, %ge3A_452 : vector<16xi32>
      %lt3A = arith.constant 80 : i32
      %lt3A_454 = vector.broadcast %lt3A : i32 to vector<16xi32>
      %lt3A_455 = arith.cmpi slt, %sub3A_451, %lt3A_454 : vector<16xi32>
      %and3A = arith.andi %ge3A_453, %lt3A_455 : vector<16xi1>
      %jit3A = arith.constant 0 : i32
      %broadcast_in_dim3A_456 = vector.broadcast %jit3A : i32 to vector<16xi32>
      %select_n3A = arith.select %and3A, %sub3A_451, %broadcast_in_dim3A_456 : vector<16xi1>, vector<16xi32>
      %mul3A_457 = arith.constant 16 : i32
      %mul3A_458 = arith.muli %scan3A_445, %mul3A_457 : i32
      %add3A_459 = vector.broadcast %mul3A_458 : i32 to vector<16xi32>
      %add3A_460 = arith.addi %iota3A, %add3A_459 : vector<16xi32>
      tpu.vector_store_idx %arg7[%select_n3A, %add3A_460], %broadcast_in_dim3A_5 masked %and3A : memref<80x512xf32, #tpu.memory_space<vmem>>[vector<16xi32>, vector<16xi32>], vector<16xf32>, vector<16xi1>
      %scan3A_461 = arith.constant 0 : i32
      scf.yield %scan3A_461 : i32
    }
    %scan3A_346 = arith.constant 32 : i32
    %dma_start3A_347 = arith.constant 0 : i32
    %dma_start3A_348 = arith.constant 0 : i32
    %dma_start3A_349 = tpu.memref_slice %arg7[%dma_start3A_347, %dma_start3A_348] : memref<80x512xf32, #tpu.memory_space<vmem>> -> memref<80x512xf32, #tpu.memory_space<vmem>>
    %dma_start3A_350 = arith.constant 800 : i32
    %dma_start3A_351 = tpu.memref_slice %arg4[%dma_start3A_350, %mul3A_2] : memref<1000x16384xf32, #tpu.memory_space<hbm>> -> memref<80x512xf32, #tpu.memory_space<hbm>>
    %dma_start3A_352 = arith.constant 800 : i32
    %dma_start3A_353 = tpu.memref_slice %arg4[%dma_start3A_352, %mul3A_2] : memref<1000x16384xf32, #tpu.memory_space<hbm>> -> memref<80x512xf32, #tpu.memory_space<hbm>>
    %dma_start3A_354 = arith.constant 0 : i32
    %dma_start3A_355 = arith.constant 0 : i32
    %dma_start3A_356 = tpu.memref_slice %arg7[%dma_start3A_354, %dma_start3A_355] : memref<80x512xf32, #tpu.memory_space<vmem>> -> memref<80x512xf32, #tpu.memory_space<vmem>>
    tpu.enqueue_dma source(%dma_start3A_356 : memref<80x512xf32, #tpu.memory_space<vmem>>) target(%dma_start3A_353 : memref<80x512xf32, #tpu.memory_space<hbm>>) target_semaphore(%arg9 : memref<!tpu.dma_semaphore, #tpu.memory_space<semaphore_mem>>)
    %dma_wait3A_357 = arith.constant 0 : i32
    %dma_wait3A_358 = arith.constant 0 : i32
    %dma_wait3A_359 = tpu.memref_slice %arg8[%dma_wait3A_357, %dma_wait3A_358] : memref<80x512xf32, #tpu.memory_space<vmem>> -> memref<80x512xf32, #tpu.memory_space<vmem>>
    %dma_wait3A_360 = arith.constant 720 : i32
    %dma_wait3A_361 = tpu.memref_slice %arg4[%dma_wait3A_360, %mul3A_2] : memref<1000x16384xf32, #tpu.memory_space<hbm>> -> memref<80x512xf32, #tpu.memory_space<hbm>>
    %dma_wait3A_362 = arith.constant 720 : i32
    %dma_wait3A_363 = tpu.memref_slice %arg4[%dma_wait3A_362, %mul3A_2] : memref<1000x16384xf32, #tpu.memory_space<hbm>> -> memref<80x512xf32, #tpu.memory_space<hbm>>
    %dma_wait3A_364 = arith.constant 0 : i32
    %dma_wait3A_365 = arith.constant 0 : i32
    %dma_wait3A_366 = tpu.memref_slice %arg8[%dma_wait3A_364, %dma_wait3A_365] : memref<80x512xf32, #tpu.memory_space<vmem>> -> memref<80x512xf32, #tpu.memory_space<vmem>>
    tpu.wait_dma2 semaphore(%arg10 : memref<!tpu.dma_semaphore, #tpu.memory_space<semaphore_mem>>) src(%dma_wait3A_366 : memref<80x512xf32, #tpu.memory_space<vmem>>) dst(%dma_wait3A_363 : memref<80x512xf32, #tpu.memory_space<hbm>>)
    %scan3A_367 = arith.constant 0 : i32
    %scan3A_368 = arith.constant 0 : i32
    %scan3A_369 = arith.constant 32 : i32
    %scan3A_370 = arith.addi %scan3A_368, %scan3A_369 : i32
    %scan3A_371 = arith.constant 1 : i32
    %scan3A_372 = scf.for %scan3A_445 = %scan3A_368 to %scan3A_370 step %scan3A_371 iter_args(%scan3A_446 = %scan3A_367) -> (i32)  : i32 {
      %mul3A_447 = arith.constant 16 : i32
      %mul3A_448 = arith.muli %scan3A_445, %mul3A_447 : i32
      %get3A = arith.index_cast %mul3A_448 : i32 to index
      %get3A_449 = tpu.vector_load %arg5[%get3A] {strides = array<i32>} : memref<512xi32, #tpu.memory_space<vmem>>, vector<16xi32>,
      %gather3A = tpu.vector_load_idx %arg6[%get3A_449] : memref<128xi32, #tpu.memory_space<vmem>>[vector<16xi32>], vector<16xi32>,
      %sub3A = arith.constant 720 : i32
      %sub3A_450 = vector.broadcast %sub3A : i32 to vector<16xi32>
      %sub3A_451 = arith.subi %gather3A, %sub3A_450 : vector<16xi32>
      %ge3A = arith.constant 0 : i32
      %ge3A_452 = vector.broadcast %ge3A : i32 to vector<16xi32>
      %ge3A_453 = arith.cmpi sge, %sub3A_451, %ge3A_452 : vector<16xi32>
      %lt3A = arith.constant 80 : i32
      %lt3A_454 = vector.broadcast %lt3A : i32 to vector<16xi32>
      %lt3A_455 = arith.cmpi slt, %sub3A_451, %lt3A_454 : vector<16xi32>
      %and3A = arith.andi %ge3A_453, %lt3A_455 : vector<16xi1>
      %jit3A = arith.constant 0 : i32
      %broadcast_in_dim3A_456 = vector.broadcast %jit3A : i32 to vector<16xi32>
      %select_n3A = arith.select %and3A, %sub3A_451, %broadcast_in_dim3A_456 : vector<16xi1>, vector<16xi32>
      %mul3A_457 = arith.constant 16 : i32
      %mul3A_458 = arith.muli %scan3A_445, %mul3A_457 : i32
      %add3A_459 = vector.broadcast %mul3A_458 : i32 to vector<16xi32>
      %add3A_460 = arith.addi %iota3A, %add3A_459 : vector<16xi32>
      tpu.vector_store_idx %arg8[%select_n3A, %add3A_460], %broadcast_in_dim3A_3 masked %and3A : memref<80x512xf32, #tpu.memory_space<vmem>>[vector<16xi32>, vector<16xi32>], vector<16xf32>, vector<16xi1>
      %scan3A_461 = arith.constant 0 : i32
      scf.yield %scan3A_461 : i32
    }
    %scan3A_373 = arith.constant 32 : i32
    %scan3A_374 = arith.constant 0 : i32
    %scan3A_375 = arith.constant 0 : i32
    %scan3A_376 = arith.constant 32 : i32
    %scan3A_377 = arith.addi %scan3A_375, %scan3A_376 : i32
    %scan3A_378 = arith.constant 1 : i32
    %scan3A_379 = scf.for %scan3A_445 = %scan3A_375 to %scan3A_377 step %scan3A_378 iter_args(%scan3A_446 = %scan3A_374) -> (i32)  : i32 {
      %mul3A_447 = arith.constant 16 : i32
      %mul3A_448 = arith.muli %scan3A_445, %mul3A_447 : i32
      %get3A = arith.index_cast %mul3A_448 : i32 to index
      %get3A_449 = tpu.vector_load %arg5[%get3A] {strides = array<i32>} : memref<512xi32, #tpu.memory_space<vmem>>, vector<16xi32>,
      %gather3A = tpu.vector_load_idx %arg6[%get3A_449] : memref<128xi32, #tpu.memory_space<vmem>>[vector<16xi32>], vector<16xi32>,
      %sub3A = arith.constant 880 : i32
      %sub3A_450 = vector.broadcast %sub3A : i32 to vector<16xi32>
      %sub3A_451 = arith.subi %gather3A, %sub3A_450 : vector<16xi32>
      %ge3A = arith.constant 0 : i32
      %ge3A_452 = vector.broadcast %ge3A : i32 to vector<16xi32>
      %ge3A_453 = arith.cmpi sge, %sub3A_451, %ge3A_452 : vector<16xi32>
      %lt3A = arith.constant 80 : i32
      %lt3A_454 = vector.broadcast %lt3A : i32 to vector<16xi32>
      %lt3A_455 = arith.cmpi slt, %sub3A_451, %lt3A_454 : vector<16xi32>
      %and3A = arith.andi %ge3A_453, %lt3A_455 : vector<16xi1>
      %jit3A = arith.constant 0 : i32
      %broadcast_in_dim3A_456 = vector.broadcast %jit3A : i32 to vector<16xi32>
      %select_n3A = arith.select %and3A, %sub3A_451, %broadcast_in_dim3A_456 : vector<16xi1>, vector<16xi32>
      %mul3A_457 = arith.constant 16 : i32
      %mul3A_458 = arith.muli %scan3A_445, %mul3A_457 : i32
      %add3A_459 = vector.broadcast %mul3A_458 : i32 to vector<16xi32>
      %add3A_460 = arith.addi %iota3A, %add3A_459 : vector<16xi32>
      tpu.vector_store_idx %arg8[%select_n3A, %add3A_460], %broadcast_in_dim3A_5 masked %and3A : memref<80x512xf32, #tpu.memory_space<vmem>>[vector<16xi32>, vector<16xi32>], vector<16xf32>, vector<16xi1>
      %scan3A_461 = arith.constant 0 : i32
      scf.yield %scan3A_461 : i32
    }
    %scan3A_380 = arith.constant 32 : i32
    %dma_start3A_381 = arith.constant 0 : i32
    %dma_start3A_382 = arith.constant 0 : i32
    %dma_start3A_383 = tpu.memref_slice %arg8[%dma_start3A_381, %dma_start3A_382] : memref<80x512xf32, #tpu.memory_space<vmem>> -> memref<80x512xf32, #tpu.memory_space<vmem>>
    %dma_start3A_384 = arith.constant 880 : i32
    %dma_start3A_385 = tpu.memref_slice %arg4[%dma_start3A_384, %mul3A_2] : memref<1000x16384xf32, #tpu.memory_space<hbm>> -> memref<80x512xf32, #tpu.memory_space<hbm>>
    %dma_start3A_386 = arith.constant 880 : i32
    %dma_start3A_387 = tpu.memref_slice %arg4[%dma_start3A_386, %mul3A_2] : memref<1000x16384xf32, #tpu.memory_space<hbm>> -> memref<80x512xf32, #tpu.memory_space<hbm>>
    %dma_start3A_388 = arith.constant 0 : i32
    %dma_start3A_389 = arith.constant 0 : i32
    %dma_start3A_390 = tpu.memref_slice %arg8[%dma_start3A_388, %dma_start3A_389] : memref<80x512xf32, #tpu.memory_space<vmem>> -> memref<80x512xf32, #tpu.memory_space<vmem>>
    tpu.enqueue_dma source(%dma_start3A_390 : memref<80x512xf32, #tpu.memory_space<vmem>>) target(%dma_start3A_387 : memref<80x512xf32, #tpu.memory_space<hbm>>) target_semaphore(%arg10 : memref<!tpu.dma_semaphore, #tpu.memory_space<semaphore_mem>>)
    %dma_wait3A_391 = arith.constant 0 : i32
    %dma_wait3A_392 = arith.constant 0 : i32
    %dma_wait3A_393 = tpu.memref_slice %arg7[%dma_wait3A_391, %dma_wait3A_392] : memref<80x512xf32, #tpu.memory_space<vmem>> -> memref<80x512xf32, #tpu.memory_space<vmem>>
    %dma_wait3A_394 = arith.constant 800 : i32
    %dma_wait3A_395 = tpu.memref_slice %arg4[%dma_wait3A_394, %mul3A_2] : memref<1000x16384xf32, #tpu.memory_space<hbm>> -> memref<80x512xf32, #tpu.memory_space<hbm>>
    %dma_wait3A_396 = arith.constant 800 : i32
    %dma_wait3A_397 = tpu.memref_slice %arg4[%dma_wait3A_396, %mul3A_2] : memref<1000x16384xf32, #tpu.memory_space<hbm>> -> memref<80x512xf32, #tpu.memory_space<hbm>>
    %dma_wait3A_398 = arith.constant 0 : i32
    %dma_wait3A_399 = arith.constant 0 : i32
    %dma_wait3A_400 = tpu.memref_slice %arg7[%dma_wait3A_398, %dma_wait3A_399] : memref<80x512xf32, #tpu.memory_space<vmem>> -> memref<80x512xf32, #tpu.memory_space<vmem>>
    tpu.wait_dma2 semaphore(%arg9 : memref<!tpu.dma_semaphore, #tpu.memory_space<semaphore_mem>>) src(%dma_wait3A_400 : memref<80x512xf32, #tpu.memory_space<vmem>>) dst(%dma_wait3A_397 : memref<80x512xf32, #tpu.memory_space<hbm>>)
    %scan3A_401 = arith.constant 0 : i32
    %scan3A_402 = arith.constant 0 : i32
    %scan3A_403 = arith.constant 32 : i32
    %scan3A_404 = arith.addi %scan3A_402, %scan3A_403 : i32
    %scan3A_405 = arith.constant 1 : i32
    %scan3A_406 = scf.for %scan3A_445 = %scan3A_402 to %scan3A_404 step %scan3A_405 iter_args(%scan3A_446 = %scan3A_401) -> (i32)  : i32 {
      %mul3A_447 = arith.constant 16 : i32
      %mul3A_448 = arith.muli %scan3A_445, %mul3A_447 : i32
      %get3A = arith.index_cast %mul3A_448 : i32 to index
      %get3A_449 = tpu.vector_load %arg5[%get3A] {strides = array<i32>} : memref<512xi32, #tpu.memory_space<vmem>>, vector<16xi32>,
      %gather3A = tpu.vector_load_idx %arg6[%get3A_449] : memref<128xi32, #tpu.memory_space<vmem>>[vector<16xi32>], vector<16xi32>,
      %sub3A = arith.constant 800 : i32
      %sub3A_450 = vector.broadcast %sub3A : i32 to vector<16xi32>
      %sub3A_451 = arith.subi %gather3A, %sub3A_450 : vector<16xi32>
      %ge3A = arith.constant 0 : i32
      %ge3A_452 = vector.broadcast %ge3A : i32 to vector<16xi32>
      %ge3A_453 = arith.cmpi sge, %sub3A_451, %ge3A_452 : vector<16xi32>
      %lt3A = arith.constant 80 : i32
      %lt3A_454 = vector.broadcast %lt3A : i32 to vector<16xi32>
      %lt3A_455 = arith.cmpi slt, %sub3A_451, %lt3A_454 : vector<16xi32>
      %and3A = arith.andi %ge3A_453, %lt3A_455 : vector<16xi1>
      %jit3A = arith.constant 0 : i32
      %broadcast_in_dim3A_456 = vector.broadcast %jit3A : i32 to vector<16xi32>
      %select_n3A = arith.select %and3A, %sub3A_451, %broadcast_in_dim3A_456 : vector<16xi1>, vector<16xi32>
      %mul3A_457 = arith.constant 16 : i32
      %mul3A_458 = arith.muli %scan3A_445, %mul3A_457 : i32
      %add3A_459 = vector.broadcast %mul3A_458 : i32 to vector<16xi32>
      %add3A_460 = arith.addi %iota3A, %add3A_459 : vector<16xi32>
      tpu.vector_store_idx %arg7[%select_n3A, %add3A_460], %broadcast_in_dim3A_3 masked %and3A : memref<80x512xf32, #tpu.memory_space<vmem>>[vector<16xi32>, vector<16xi32>], vector<16xf32>, vector<16xi1>
      %scan3A_461 = arith.constant 0 : i32
      scf.yield %scan3A_461 : i32
    }
    %scan3A_407 = arith.constant 32 : i32
    %scan3A_408 = arith.constant 0 : i32
    %scan3A_409 = arith.constant 0 : i32
    %scan3A_410 = arith.constant 32 : i32
    %scan3A_411 = arith.addi %scan3A_409, %scan3A_410 : i32
    %scan3A_412 = arith.constant 1 : i32
    %scan3A_413 = scf.for %scan3A_445 = %scan3A_409 to %scan3A_411 step %scan3A_412 iter_args(%scan3A_446 = %scan3A_408) -> (i32)  : i32 {
      %mul3A_447 = arith.constant 16 : i32
      %mul3A_448 = arith.muli %scan3A_445, %mul3A_447 : i32
      %get3A = arith.index_cast %mul3A_448 : i32 to index
      %get3A_449 = tpu.vector_load %arg5[%get3A] {strides = array<i32>} : memref<512xi32, #tpu.memory_space<vmem>>, vector<16xi32>,
      %gather3A = tpu.vector_load_idx %arg6[%get3A_449] : memref<128xi32, #tpu.memory_space<vmem>>[vector<16xi32>], vector<16xi32>,
      %sub3A = arith.constant 960 : i32
      %sub3A_450 = vector.broadcast %sub3A : i32 to vector<16xi32>
      %sub3A_451 = arith.subi %gather3A, %sub3A_450 : vector<16xi32>
      %ge3A = arith.constant 0 : i32
      %ge3A_452 = vector.broadcast %ge3A : i32 to vector<16xi32>
      %ge3A_453 = arith.cmpi sge, %sub3A_451, %ge3A_452 : vector<16xi32>
      %lt3A = arith.constant 40 : i32
      %lt3A_454 = vector.broadcast %lt3A : i32 to vector<16xi32>
      %lt3A_455 = arith.cmpi slt, %sub3A_451, %lt3A_454 : vector<16xi32>
      %and3A = arith.andi %ge3A_453, %lt3A_455 : vector<16xi1>
      %jit3A = arith.constant 0 : i32
      %broadcast_in_dim3A_456 = vector.broadcast %jit3A : i32 to vector<16xi32>
      %select_n3A = arith.select %and3A, %sub3A_451, %broadcast_in_dim3A_456 : vector<16xi1>, vector<16xi32>
      %mul3A_457 = arith.constant 16 : i32
      %mul3A_458 = arith.muli %scan3A_445, %mul3A_457 : i32
      %add3A_459 = vector.broadcast %mul3A_458 : i32 to vector<16xi32>
      %add3A_460 = arith.addi %iota3A, %add3A_459 : vector<16xi32>
      tpu.vector_store_idx %arg7[%select_n3A, %add3A_460], %broadcast_in_dim3A_5 masked %and3A : memref<80x512xf32, #tpu.memory_space<vmem>>[vector<16xi32>, vector<16xi32>], vector<16xf32>, vector<16xi1>
      %scan3A_461 = arith.constant 0 : i32
      scf.yield %scan3A_461 : i32
    }
    %scan3A_414 = arith.constant 32 : i32
    %dma_start3A_415 = arith.constant 0 : i32
    %dma_start3A_416 = arith.constant 0 : i32
    %dma_start3A_417 = tpu.memref_slice %arg7[%dma_start3A_415, %dma_start3A_416] : memref<80x512xf32, #tpu.memory_space<vmem>> -> memref<40x512xf32, #tpu.memory_space<vmem>>
    %dma_start3A_418 = arith.constant 960 : i32
    %dma_start3A_419 = tpu.memref_slice %arg4[%dma_start3A_418, %mul3A_2] : memref<1000x16384xf32, #tpu.memory_space<hbm>> -> memref<40x512xf32, #tpu.memory_space<hbm>>
    %dma_start3A_420 = arith.constant 960 : i32
    %dma_start3A_421 = tpu.memref_slice %arg4[%dma_start3A_420, %mul3A_2] : memref<1000x16384xf32, #tpu.memory_space<hbm>> -> memref<40x512xf32, #tpu.memory_space<hbm>>
    %dma_start3A_422 = arith.constant 0 : i32
    %dma_start3A_423 = arith.constant 0 : i32
    %dma_start3A_424 = tpu.memref_slice %arg7[%dma_start3A_422, %dma_start3A_423] : memref<80x512xf32, #tpu.memory_space<vmem>> -> memref<40x512xf32, #tpu.memory_space<vmem>>
    tpu.enqueue_dma source(%dma_start3A_424 : memref<40x512xf32, #tpu.memory_space<vmem>>) target(%dma_start3A_421 : memref<40x512xf32, #tpu.memory_space<hbm>>) target_semaphore(%arg9 : memref<!tpu.dma_semaphore, #tpu.memory_space<semaphore_mem>>)
    %dma_wait3A_425 = arith.constant 0 : i32
    %dma_wait3A_426 = arith.constant 0 : i32
    %dma_wait3A_427 = tpu.memref_slice %arg7[%dma_wait3A_425, %dma_wait3A_426] : memref<80x512xf32, #tpu.memory_space<vmem>> -> memref<40x512xf32, #tpu.memory_space<vmem>>
    %dma_wait3A_428 = arith.constant 960 : i32
    %dma_wait3A_429 = tpu.memref_slice %arg4[%dma_wait3A_428, %mul3A_2] : memref<1000x16384xf32, #tpu.memory_space<hbm>> -> memref<40x512xf32, #tpu.memory_space<hbm>>
    %dma_wait3A_430 = arith.constant 960 : i32
    %dma_wait3A_431 = tpu.memref_slice %arg4[%dma_wait3A_430, %mul3A_2] : memref<1000x16384xf32, #tpu.memory_space<hbm>> -> memref<40x512xf32, #tpu.memory_space<hbm>>
    %dma_wait3A_432 = arith.constant 0 : i32
    %dma_wait3A_433 = arith.constant 0 : i32
    %dma_wait3A_434 = tpu.memref_slice %arg7[%dma_wait3A_432, %dma_wait3A_433] : memref<80x512xf32, #tpu.memory_space<vmem>> -> memref<40x512xf32, #tpu.memory_space<vmem>>
    tpu.wait_dma2 semaphore(%arg9 : memref<!tpu.dma_semaphore, #tpu.memory_space<semaphore_mem>>) src(%dma_wait3A_434 : memref<40x512xf32, #tpu.memory_space<vmem>>) dst(%dma_wait3A_431 : memref<40x512xf32, #tpu.memory_space<hbm>>)
    %dma_wait3A_435 = arith.constant 0 : i32
    %dma_wait3A_436 = arith.constant 0 : i32
    %dma_wait3A_437 = tpu.memref_slice %arg8[%dma_wait3A_435, %dma_wait3A_436] : memref<80x512xf32, #tpu.memory_space<vmem>> -> memref<80x512xf32, #tpu.memory_space<vmem>>
    %dma_wait3A_438 = arith.constant 880 : i32
    %dma_wait3A_439 = tpu.memref_slice %arg4[%dma_wait3A_438, %mul3A_2] : memref<1000x16384xf32, #tpu.memory_space<hbm>> -> memref<80x512xf32, #tpu.memory_space<hbm>>
    %dma_wait3A_440 = arith.constant 880 : i32
    %dma_wait3A_441 = tpu.memref_slice %arg4[%dma_wait3A_440, %mul3A_2] : memref<1000x16384xf32, #tpu.memory_space<hbm>> -> memref<80x512xf32, #tpu.memory_space<hbm>>
    %dma_wait3A_442 = arith.constant 0 : i32
    %dma_wait3A_443 = arith.constant 0 : i32
    %dma_wait3A_444 = tpu.memref_slice %arg8[%dma_wait3A_442, %dma_wait3A_443] : memref<80x512xf32, #tpu.memory_space<vmem>> -> memref<80x512xf32, #tpu.memory_space<vmem>>
    tpu.wait_dma2 semaphore(%arg10 : memref<!tpu.dma_semaphore, #tpu.memory_space<semaphore_mem>>) src(%dma_wait3A_444 : memref<80x512xf32, #tpu.memory_space<vmem>>) dst(%dma_wait3A_441 : memref<80x512xf32, #tpu.memory_space<hbm>>)
    return
  }
}

</mosaic_0001>

<sc_bundles>
// kernel: kernel.3.cloned.1.call-start
scs
__scs_entry_jumppad:
0x0: {  	(pc) =	sbr.rel $0x88, $3  }
0x1: {  	(tag) =	ssettag $0x0;
	lr =	simm.s32 $0x1  }
0x2: {  	[smem:$0x3F9F] =	sst lr;
	_ =	strace $0xD0000000  }
0x3: {  	_ = 	snop  }
0x4: {  	_ = 	snop  }
0x5: {  	_ = 	snop  }
0x6: {  	_ = 	snop  }
0x7: {  	_ = 	snop  }
__scs_overlays_trampoline_lowered:
0x8: {  	[smem:$0x3FAE] =	sst s0  }
0x9: {  	[smem:$0x3FAF] =	sst s1  }
0xa: {  	[smem:$0x3FB0] =	sst s2  }
0xb: {  	[smem:$0x3FB1] =	sst s3  }
0xc: {  	[smem:$0x3FB2] =	sst s4  }
0xd: {  	[smem:$0x3FB3] =	sst s5  }
0xe: {  	[smem:$0x3FB4] =	sst s6  }
0xf: {  	[smem:$0x3FB5] =	sst s7  }
0x10: {  	[smem:$0x3FB6] =	sst s8  }
0x11: {  	[smem:$0x3FB7] =	sst s9;
	s0 =	simm.s32 @!p0 $0x0  }
0x12: {  	s1 =	sld [smem:$0x3F9D];
	s0 =	simm.s32 @p0 $0x1  }
0x13: {  	[smem:$0x3FB8] =	sst s0;
	s0 =	simm.s32 @!p1 $0x0  }
0x14: {  	s2 =	sld [smem:$0x3F9C];
	s0 =	simm.s32 @p1 $0x1  }
0x15: {  	[smem:$0x3FB9] =	sst s0;
	s0 =	simm.s32 @!p2 $0x0  }
0x16: {  	s3 =	sld [smem:$0x3FDB];
	s0 =	simm.s32 @p2 $0x1  }
0x17: {  	s4 =	simm.s32 $0x1BF5;
	[smem:$0x3FBB] =	sst s0  }
0x18: {  	s0 =	sld [smem:$0x3F9E];
	_ =	swait.ge [sflag:s4], $0x0  }
0x19: {  	s7 =	sld [smem:$0x3F9F]  }
0x1a: {  	s8 =	sadd.s32 $0xFFFFE003, lr  }
0x1b: {  	s9 =	sadd.s32 $0xFFFFFEF7, lr;
	s5 =	simm.s32 $0xFFFFFFFF;
	p2 =	slt.u32 s8, $0xFFFFF086  }
0x1c: {  	p1 =	slt.u32 s9, $0xF7A;
	s5 =	simm.s32 @!p2 $0x0  }
0x1d: {  	s5 =	simm.s32 @p1 $0x1;
	p0 =	seq.s32 s7, s2  }
0x1e: {  	s7 =	smul.u32 @!p0 $0xF7A, s2;
	p2 =	seq.s32 @!p0 s5, $0x0  }
0x1f: {  	s9 =	smul.u32 $0xF7A, s1;
	s8 =	simm.s32 @!p0 $0x1BF5;
	p2 =	por !p2, p0  }
0x20: {  	[sflag:s8] =	ssyncset.s32 @!p0 $0xFFFFF086;
	s6 =	sadd.s32 @!p0 s3, s7;
	s7 =	simm.s32 @!p0 $0x108  }
0x21: {  	s3 =	sadd.s32 s3, s9;
	s6 =	sadd.s32 @!p0 $0x88, s6;
	s7 =	simm.s32 @p2 $0x1082  }
0x22: {  	[simem:s7], [sflag:s8] =	dma.local @!p0 [hbm:s6], $0xF7A  }
0x23: {  	s9 =	sor.u32 $0xD0000000, s2;
	s6 =	simm.s32 $0x108;
	_ =	swait.ge @!p0 [sflag:s8], $0x0  }
0x24: {  	s3 =	sadd.s32 $0x88, s3;
	s6 =	simm.s32 @!p1 $0x1082;
	[sflag:s4] =	ssyncset.s32 $0xFFFFF086  }
0x25: {  	[simem:s6], [sflag:s4] =	dma.local [hbm:s3], $0xF7A  }
0x26: {  	[smem:$0x3F9F] =	sst s1;
	(tag) =	ssettag s2;
	_ =	strace s9  }
0x27: {  	s1 =	sld [smem:$0x3FAF]  }
0x28: {  	s2 =	sld [smem:$0x3FB0]  }
0x29: {  	s4 =	sld [smem:$0x3FB2]  }
0x2a: {  	p0 =	seq.s32 s5, $0x0;
	s5 =	sld [smem:$0x3FB3]  }
0x2b: {  	s6 =	sld [smem:$0x3FB4]  }
0x2c: {  	s7 =	sld [smem:$0x3FB5]  }
0x2d: {  	s3 =	simm.s32 $0x108;
	s8 =	sld [smem:$0x3FB6]  }
0x2e: {  	s3 =	simm.s32 @!p0 $0x1082;
	s9 =	sld [smem:$0x3FB7]  }
0x2f: {  	lr =	sadd.s32 s0, s3;
	s0 =	sld [smem:$0x3FAE]  }
0x30: {  	s3 =	sld [smem:$0x3FB1]  }
0x31: {  	[smem:$0x3FBA] =	sst s10  }
0x32: {  	s10 =	sld [smem:$0x3FB8];
	_ =	sdelay $0x3  }
0x33: {  	p0 =	seq.s32 s10, $0x1;
	s10 =	sld [smem:$0x3FBA];
	_ =	sdelay $0x3  }
0x34: {  	[smem:$0x3FBA] =	sst s10  }
0x35: {  	s10 =	sld [smem:$0x3FB9];
	_ =	sdelay $0x3  }
0x36: {  	p1 =	seq.s32 s10, $0x1;
	s10 =	sld [smem:$0x3FBA];
	_ =	sdelay $0x3  }
0x37: {  	[smem:$0x3FBA] =	sst s10  }
0x38: {  	s10 =	sld [smem:$0x3FBB]  }
0x39: {  	_ = 	snop;
	(pc) =	sbr.ind lr, $3  }
0x3a: {  	_ = 	snop  }
0x3b: {  	_ = 	snop  }
0x3c: {  	p2 =	seq.s32 s10, $0x1;
	s10 =	sld [smem:$0x3FBA]  }
0x3d: {  	_ =	shalt  }
0x3e: {  	_ =	shalt  }
0x3f: {  	_ =	shalt  }
0x40: {  	_ =	shalt  }
0x41: {  	_ =	shalt  }
0x42: {  	_ =	shalt  }
0x43: {  	_ =	shalt  }
0x44: {  	_ =	shalt  }
0x45: {  	_ =	shalt  }
0x46: {  	_ =	shalt  }
0x47: {  	_ =	shalt  }
0x48: {  	_ =	shalt  }
0x49: {  	_ =	shalt  }
0x4a: {  	_ =	shalt  }
0x4b: {  	_ =	shalt  }
0x4c: {  	_ =	shalt  }
0x4d: {  	_ =	shalt  }
0x4e: {  	_ =	shalt  }
0x4f: {  	_ =	shalt  }
0x50: {  	_ =	shalt  }
0x51: {  	_ =	shalt  }
0x52: {  	_ =	shalt  }
0x53: {  	_ =	shalt  }
0x54: {  	_ =	shalt  }
0x55: {  	_ =	shalt  }
0x56: {  	_ =	shalt  }
0x57: {  	_ =	shalt  }
0x58: {  	_ =	shalt  }
0x59: {  	_ =	shalt  }
0x5a: {  	_ =	shalt  }
0x5b: {  	_ =	shalt  }
0x5c: {  	_ =	shalt  }
0x5d: {  	_ =	shalt  }
0x5e: {  	_ =	shalt  }
0x5f: {  	_ =	shalt  }
0x60: {  	_ =	shalt  }
0x61: {  	_ =	shalt  }
0x62: {  	_ =	shalt  }
0x63: {  	_ =	shalt  }
0x64: {  	_ =	shalt  }
0x65: {  	_ =	shalt  }
0x66: {  	_ =	shalt  }
0x67: {  	_ =	shalt  }
0x68: {  	_ =	shalt  }
0x69: {  	_ =	shalt  }
0x6a: {  	_ =	shalt  }
0x6b: {  	_ =	shalt  }
0x6c: {  	_ =	shalt  }
0x6d: {  	_ =	shalt  }
0x6e: {  	_ =	shalt  }
0x6f: {  	_ =	shalt  }
0x70: {  	_ =	shalt  }
0x71: {  	_ =	shalt  }
0x72: {  	_ =	shalt  }
0x73: {  	_ =	shalt  }
0x74: {  	_ =	shalt  }
0x75: {  	_ =	shalt  }
0x76: {  	_ =	shalt  }
0x77: {  	_ =	shalt  }
0x78: {  	_ =	shalt  }
0x79: {  	_ =	shalt  }
0x7a: {  	_ =	shalt  }
0x7b: {  	_ =	shalt  }
0x7c: {  	_ =	shalt  }
0x7d: {  	_ =	shalt  }
0x7e: {  	_ =	shalt  }
0x7f: {  	_ =	shalt  }
0x80: {  	_ =	shalt  }
0x81: {  	_ =	shalt  }
0x82: {  	_ =	shalt  }
0x83: {  	_ =	shalt  }
0x84: {  	_ =	shalt  }
0x85: {  	_ =	shalt  }
0x86: {  	_ =	shalt  }
0x87: {  	_ =	shalt  }
.Lfunc_end0:
.L_simem_size_0:
called_computation_lowered:
.L_overlay_start_0:
0x88: {  	s2 =	sld [smem:$0x3FD9]  }
0x89: {  	s3 =	sld [smem:$0x3FFE];
	_ =	sdelay $0x1  }
0x8a: {  	s1 =	srdreg.scid  }
0x8b: {  	s0 =	sand.u32 $0x1, s1  }
0x8c: {  	s17 =	sshll.u32 s0, $0xA;
	s2 =	sadd.s32 s3, s2  }
0x8d: {  	s2 =	sadd.s32 s2, s17  }
0x8e: {  	[smem:$0x3FC6] =	sst s2  }
0x8f: {  	_ = 	snop  }
0x90: {  	s2 =	sld [smem:$0x3FC9]  }
0x91: {  	s18 =	sld [smem:$0x3FD0];
	(tm) =	ssettm $0x1  }
0x92: {  	s4 =	sld [smem:$0x3FFB];
	_ =	sdelay $0x3  }
0x93: {  	_ =	strace s4  }
0x94: {  	s4 =	sld [smem:$0x3FFC];
	_ =	sdelay $0x3  }
0x95: {  	_ =	strace s4  }
0x96: {  	s4 =	sld [smem:$0x3FFD];
	_ =	sdelay $0x3  }
0x97: {  	_ =	strace s4  }
0x98: {  	_ =	strace $0x8FFFFFFF  }
0x99: {  	s19 =	sld [smem:$0x3FDB];
	_ =	sdelay $0x1  }
0x9a: {  	s5 =	simm.s32 $_scs_section_size  }
0x9b: {  	s6 =	simm.s32 $_size__tile_overlayer_lowered;
	s7 =	simm.s32 $_tile_overlayer_lowered  }
0x9c: {  	s22 =	simm.s32 $0x1BFF;
	s21 =	sshll.u32 s7, $0x1;
	s4 =	sadd.s32 s5, s19  }
0x9d: {  	s8 =	simm.s32 $0x0;
	s20 =	sshll.u32 s6, $0x1;
	s6 =	sadd.s32 s21, s4  }
0x9e: {  	[timem:s8], [sflag:s22] =	dma.local [hbm:s6], s20  }
0x9f: {  	_ =	swait.ge [sflag:s22], s20  }
0xa0: {  	s5 =	ssub.s32 $0x0, s20;
	[sflag:s22] =	ssyncset.done $0x0  }
0xa1: {  	[sflag:s22] =	ssyncadd.s32 s5;
	_ =	sdelay $0x1  }
0xa2: {  	s23 =	simm.s32 $0x1B8B  }
0xa3: {  	_ =	swait.ge [sflag:s23], $0x1  }
0xa4: {  	[sflag:s23] =	ssyncset.done $0x0  }
0xa5: {  	s25 =	simm.s32 $0x1B8E;
	s24 =	sld [smem:$0x3FFE];
	[sflag:s23] =	ssyncadd.s32 $0xFFFFFFFF  }
0xa6: {  	s26 =	simm.s32 $execute0_lowered;
	[smem:$0x3FD2] =	sst s25  }
0xa7: {  	s6 =	sshll.u32 s26, $0x1;
	_ =	strace $0x80000046;
	[dreg:$0x1] =	wrdreg $0xFFFFFFFF  }
0xa8: {  	s28 =	simm.s32 $_size_execute0_lowered;
	s4 =	sadd.s32 s4, s6;
	[dreg:$0x0] =	wrdreg $0x0  }
0xa9: {  	s6 =	sshll.u32 s28, $0x1;
	[dreg:$0x2] =	wrdreg s4  }
0xaa: {  	[dreg:$0x3] =	wrdreg s6  }
0xab: {  	[dreg:$0x4] =	wrdreg $0xC0  }
0xac: {  	_ =	task [dreg:s8], $0x5FFFF  }
0xad: {  	[dreg:$0x1] =	wrdreg $0xFFFFFFFF  }
0xae: {  	[dreg:$0x0] =	wrdreg $0x60  }
0xaf: {  	[dreg:$0x2] =	wrdreg s2  }
0xb0: {  	[dreg:$0x3] =	wrdreg s24  }
0xb1: {  	[dreg:$0x4] =	wrdreg s18  }
0xb2: {  	[dreg:$0x5] =	wrdreg $0x9  }
0xb3: {  	_ =	task.clear_ibuf [dreg:s8], $0x6FFFF;
	_ =	strace $0x90000046  }
0xb4: {  	s29 =	simm.s32 $0x9;
	_ =	strace $0x80000048  }
0xb5: {  	_ =	swait.ge [sflag:s29], $0x1  }
0xb6: {  	[sflag:s29] =	ssyncadd.s32 $0xFFFFFFFF  }
0xb7: {  	_ =	strace $0x90000048  }
0xb8: {  	_ =	sfence  }
0xb9: {  	s30 =	sld [smem:$0x0];
	_ =	sdelay $0x2  }
0xba: {  	s31 =	sshll.u32 s1, $0xD;
	s1 =	sshrl.u32 s1, $0x2  }
0xbb: {  	s3 =	sand.u32 $0x4000, s31;
	s1 =	sadd.s32 s1, s30  }
0xbc: {  	s0 =	sor.u32 s3, s0;
	s1 =	sshll.u32 s1, $0x11  }
0xbd: {  	s0 =	sor.u32 s1, s0  }
0xbe: {  	s0 =	sadd.s32 $0x8F2B, s0  }
0xbf: {  	[sflag:s0] =	ssyncadd.remote.s32 $0x1  }
0xc0: {  	_ =	sfence.sel $0xFFFF  }
0xc1: {  	[dreg:$0x0] =	wrdreg $0xFFFFFFFF;
	(pc) =	sbr.abs _section_cstart, $3  }
0xc2: {  	[dreg:$0x1] =	wrdreg $0xFFFFFFFF  }
0xc3: {  	_ =	task.clear_ibuf [dreg:s8], $0x2FFFF;
	_ =	strace $0x9FFFFFFF  }
0xc4: {  	(tm) =	ssettm $0x7FFFFFFF  }
0xc5: {  	_ =	shalt  }
tec
execute0_lowered:
.L_overlay_start_1:
0x0: {  	(tag) =	ssettag $0x1  }
0x1: {  	s0 =	rddreg [dreg:$0x0]  }
0x2: {  	s1 =	rddreg [dreg:$0x1]  }
0x3: {  	s3 =	rddreg [dreg:$0x2]  }
0x4: {  	s2 =	simm.s32 $0x0;
	s4 =	srdreg.scid;
	s5 =	stileid.u32  }
0x5: {  	s19 =	simm.s32 $0x3;
	s20 =	simm.s32 $0x200;
	s21 =	simm.s32 $0x280  }
0x6: {  	s22 =	simm.s32 $0x1000;
	s23 =	simm.s32 $0x20000;
	s24 =	simm.s32 $0xA280  }
0x7: {  	s25 =	simm.s32 $0x1;
	s26 =	simm.s32 $0x2;
	s28 =	simm.s32 $0x0  }
0x8: {  	[smem:$0x7FF] =	sst s2;
	s4 =	sand.u32 $0x1, s4;
	s5 =	sshll.u32 s5, $0xA  }
0x9: {  	s1 =	sadd.s32 $0x400, s1;
	_ =	strace $0x80000047;
	s6 =	sshll.u32 s4, $0x9  }
0xa: {  	[dreg:$0x4] =	wrdreg s1;
	s29 =	ssub.s32 $0x2, s4;
	s30 =	sor.u32 s6, s5  }
0xb: {  	s31 =	sshrl.u32 s29, $0x1;
	s6 =	sshrl.u32 s30, $0x3;
	s4 =	sadd.s32 s3, s30  }
0xc: {  	s1 =	ssub.s32 s29, s31;
	s5 =	sadd.s32 s0, s6;
	s6 =	sadd.s32 $0x28000, s4  }
0xd: {  	s7 =	sadd.s32 $0x50000, s4;
	s8 =	sadd.s32 $0x78000, s4;
	s9 =	sadd.s32 $0xA0000, s4  }
0xe: {  	s10 =	sadd.s32 $0xC8000, s4;
	s11 =	sadd.s32 $0xF0000, s4;
	s12 =	sadd.s32 $0x118000, s4  }
0xf: {  	s13 =	sadd.s32 $0x140000, s4;
	s14 =	sadd.s32 $0x168000, s4;
	s15 =	sadd.s32 $0x190000, s4  }
0x10: {  	v0 =	vimm.f32 $0.0e+00;
	v1 =	vlaneseq.u32;
	v2 =	vimm.f32 $1.000000000e+00;
	s16 =	sadd.s32 $0x1B8000, s4;
	s17 =	sadd.s32 $0x1E0000, s4;
	s18 =	smax.u32 s1, $0x1  }
.LBB2_1:
0x11: {  	[tilespmem:s2], [sflag:$0x3] =	stream.linear.gather [hbm4b:s5+s2], $0x200, $0x38;
	[tilespmem:$0x14280] =	vst v63  }
0x12: {  	_ =	swait.ge [sflag:s19], $0x200  }
0x13: {  	[sflag:s19] =	ssyncset.done $0x0  }
0x14: {  	s0 =	rddreg [dreg:$0x4];
	[sflag:s19] =	ssyncadd.s32 $0xFFFFFE00  }
0x15: {  	[tilespmem:s20], [sflag:$0x3] =	stream.linear.gather [hbm4b:s0+s2], $0x80, $0x38;
	[tilespmem:$0x14280] =	vst v63  }
0x16: {  	_ =	swait.ge [sflag:s19], $0x80  }
0x17: {  	s3 =	sand.u32 $0xF000, s2;
	s1 =	sand.u32 $0x380, s2;
	[sflag:s19] =	ssyncset.done $0x0  }
0x18: {  	s29 =	sor.u32 s1, s3;
	[sflag:s19] =	ssyncadd.s32 $0xFFFFFF80  }
0x19: {  	[tilespmem:s29+$0xEF0] =	vst v0  }
0x1a: {  	[tilespmem:s29+$0x280] =	vst v0  }
0x1b: {  	[tilespmem:s29+$0x290] =	vst v0  }
0x1c: {  	[tilespmem:s29+$0x2A0] =	vst v0  }
0x1d: {  	[tilespmem:s29+$0x2B0] =	vst v0  }
0x1e: {  	[tilespmem:s29+$0x2C0] =	vst v0  }
0x1f: {  	[tilespmem:s29+$0x2D0] =	vst v0  }
0x20: {  	[tilespmem:s29+$0x2E0] =	vst v0  }
0x21: {  	[tilespmem:s29+$0x2F0] =	vst v0  }
0x22: {  	[tilespmem:s29+$0x680] =	vst v0  }
0x23: {  	[tilespmem:s29+$0x690] =	vst v0  }
0x24: {  	[tilespmem:s29+$0x6A0] =	vst v0  }
0x25: {  	[tilespmem:s29+$0x6B0] =	vst v0  }
0x26: {  	[tilespmem:s29+$0x6C0] =	vst v0  }
0x27: {  	[tilespmem:s29+$0x6D0] =	vst v0  }
0x28: {  	[tilespmem:s29+$0x6E0] =	vst v0  }
0x29: {  	[tilespmem:s29+$0x6F0] =	vst v0  }
0x2a: {  	[tilespmem:s29+$0xA80] =	vst v0  }
0x2b: {  	[tilespmem:s29+$0xA90] =	vst v0  }
0x2c: {  	[tilespmem:s29+$0xAA0] =	vst v0  }
0x2d: {  	[tilespmem:s29+$0xAB0] =	vst v0  }
0x2e: {  	[tilespmem:s29+$0xAC0] =	vst v0  }
0x2f: {  	[tilespmem:s29+$0xAD0] =	vst v0  }
0x30: {  	[tilespmem:s29+$0xAE0] =	vst v0  }
0x31: {  	[tilespmem:s29+$0xAF0] =	vst v0  }
0x32: {  	[tilespmem:s29+$0xE80] =	vst v0  }
0x33: {  	[tilespmem:s29+$0xE90] =	vst v0  }
0x34: {  	[tilespmem:s29+$0xEA0] =	vst v0  }
0x35: {  	[tilespmem:s29+$0xEB0] =	vst v0  }
0x36: {  	s31 =	simm.s32 $0x200;
	s30 =	simm.s32 $0x80;
	[tilespmem:s29+$0xEC0] =	vst v0  }
0x37: {  	s1 =	sand.u32 $0xF000, s31;
	s3 =	sand.u32 $0x380, s30;
	s0 =	simm.s32 $0x400;
	[tilespmem:s29+$0xED0] =	vst v0  }
.LBB2_2:
0x38: {  	p0 =	sne.s32 s0, $0x9E00;
	[tilespmem:s29+$0xEE0] =	vst v0;
	s29 =	sor.u32 s3, s1  }
0x39: {  	[tilespmem:s29+$0xEF0] =	vst v0  }
0x3a: {  	[tilespmem:s29+$0x280] =	vst v0  }
0x3b: {  	[tilespmem:s29+$0x290] =	vst v0  }
0x3c: {  	[tilespmem:s29+$0x2A0] =	vst v0  }
0x3d: {  	[tilespmem:s29+$0x2B0] =	vst v0  }
0x3e: {  	[tilespmem:s29+$0x2C0] =	vst v0  }
0x3f: {  	[tilespmem:s29+$0x2D0] =	vst v0  }
0x40: {  	[tilespmem:s29+$0x2E0] =	vst v0  }
0x41: {  	[tilespmem:s29+$0x2F0] =	vst v0  }
0x42: {  	[tilespmem:s29+$0x680] =	vst v0  }
0x43: {  	[tilespmem:s29+$0x690] =	vst v0  }
0x44: {  	[tilespmem:s29+$0x6A0] =	vst v0  }
0x45: {  	[tilespmem:s29+$0x6B0] =	vst v0  }
0x46: {  	[tilespmem:s29+$0x6C0] =	vst v0  }
0x47: {  	[tilespmem:s29+$0x6D0] =	vst v0  }
0x48: {  	[tilespmem:s29+$0x6E0] =	vst v0  }
0x49: {  	[tilespmem:s29+$0x6F0] =	vst v0  }
0x4a: {  	[tilespmem:s29+$0xA80] =	vst v0  }
0x4b: {  	[tilespmem:s29+$0xA90] =	vst v0  }
0x4c: {  	[tilespmem:s29+$0xAA0] =	vst v0  }
0x4d: {  	[tilespmem:s29+$0xAB0] =	vst v0  }
0x4e: {  	[tilespmem:s29+$0xAC0] =	vst v0  }
0x4f: {  	[tilespmem:s29+$0xAD0] =	vst v0  }
0x50: {  	[tilespmem:s29+$0xAE0] =	vst v0  }
0x51: {  	[tilespmem:s29+$0xAF0] =	vst v0  }
0x52: {  	[tilespmem:s29+$0xE80] =	vst v0  }
.Ltmp0:
0x53: {  	[tilespmem:s29+$0xE90] =	vst v0;
	(pc) =	sbr.rel @p0 .LBB2_2-.Ltmp0, $4  }
0x54: {  	[tilespmem:s29+$0xEA0] =	vst v0  }
0x55: {  	[tilespmem:s29+$0xEB0] =	vst v0  }
0x56: {  	s30 =	sadd.s32 $0x80, s30;
	[tilespmem:s29+$0xEC0] =	vst v0  }
0x57: {  	s1 =	sand.u32 $0xF000, s0;
	s0 =	sadd.s32 $0x200, s0;
	s3 =	sand.u32 $0x380, s30;
	[tilespmem:s29+$0xED0] =	vst v0  }
0x58: {  	s0 =	sor.u32 s3, s1;
	[tilespmem:s29+$0xEE0] =	vst v0  }
0x59: {  	[tilespmem:s0+$0xEF0] =	vst v0  }
0x5a: {  	[tilespmem:s0+$0x280] =	vst v0  }
0x5b: {  	[tilespmem:s0+$0x290] =	vst v0  }
0x5c: {  	[tilespmem:s0+$0x2A0] =	vst v0  }
0x5d: {  	[tilespmem:s0+$0x2B0] =	vst v0  }
0x5e: {  	[tilespmem:s0+$0x2C0] =	vst v0  }
0x5f: {  	[tilespmem:s0+$0x2D0] =	vst v0  }
0x60: {  	[tilespmem:s0+$0x2E0] =	vst v0  }
0x61: {  	[tilespmem:s0+$0x2F0] =	vst v0  }
0x62: {  	[tilespmem:s0+$0x680] =	vst v0  }
0x63: {  	[tilespmem:s0+$0x690] =	vst v0  }
0x64: {  	[tilespmem:s0+$0x6A0] =	vst v0  }
0x65: {  	[tilespmem:s0+$0x6B0] =	vst v0  }
0x66: {  	[tilespmem:s0+$0x6C0] =	vst v0  }
0x67: {  	[tilespmem:s0+$0x6D0] =	vst v0  }
0x68: {  	[tilespmem:s0+$0x6E0] =	vst v0  }
0x69: {  	[tilespmem:s0+$0x6F0] =	vst v0  }
0x6a: {  	[tilespmem:s0+$0xA80] =	vst v0  }
0x6b: {  	[tilespmem:s0+$0xA90] =	vst v0  }
0x6c: {  	[tilespmem:s0+$0xAA0] =	vst v0  }
0x6d: {  	[tilespmem:s0+$0xAB0] =	vst v0  }
0x6e: {  	[tilespmem:s0+$0xAC0] =	vst v0  }
0x6f: {  	[tilespmem:s0+$0xAD0] =	vst v0  }
0x70: {  	[tilespmem:s0+$0xAE0] =	vst v0  }
0x71: {  	[tilespmem:s0+$0xAF0] =	vst v0  }
0x72: {  	[tilespmem:s0+$0xE80] =	vst v0  }
0x73: {  	[tilespmem:s0+$0xE90] =	vst v0  }
0x74: {  	[tilespmem:s0+$0xEA0] =	vst v0  }
0x75: {  	[tilespmem:s0+$0xEB0] =	vst v0  }
0x76: {  	[tilespmem:s0+$0xEC0] =	vst v0  }
0x77: {  	[tilespmem:s0+$0xED0] =	vst v0  }
0x78: {  	s29 =	simm.s32 $0x0;
	[tilespmem:s0+$0xEE0] =	vst v0;
	s0 =	simm.s32 $0x0  }
.LBB2_4:
0x79: {  	v3 =	vld [tilespmem:s0+$0x0];
	_ =	sdelay $0x7  }
0x7a: {  	v3 =	vld.idx.msk [tilespmem:v3+s20+$0x0], $0xffff;
	_ =	sdelay $0x4  }
0x7b: {  	v4 =	vmov s29;
	vm0 =	vlt.u32 v3, $0x50  }
0x7c: {  	v5 =	vor.u32 s29, v1;
	v4 =	vshll.u32 v4, $0x3;
	v3 =	vnsel vm0, $0x0, v3  }
0x7d: {  	v5 =	vand.u32 $0x7F, v5;
	v4 =	vand.u32 $0xC00, v4;
	v6 =	vshll.u32 v3, $0x9  }
0x7e: {  	v4 =	vor.u32 v4, v5;
	v3 =	vshll.u32 v3, $0x7;
	v6 =	vand.u32 $0xFFFFF000, v6  }
0x7f: {  	v3 =	vand.u32 $0x380, v3;
	v4 =	vor.u32 v6, v4  }
0x80: {  	p0 =	sne.s32 s29, $0x1F0;
	v3 =	vor.u32 v3, v4  }
.Ltmp1:
0x81: {  	_ = 	snop;
	(pc) =	sbr.rel @p0 .LBB2_4-.Ltmp1, $2  }
0x82: {  	_ =	sdelay $0x2  }
0x83: {  	s0 =	sadd.s32 $0x10, s0;
	s29 =	sadd.s32 $0x10, s29;
	[tilespmem:v3+s21+$0x0] =	vst.idx.msk vm0, v2  }
0x84: {  	[hbm4b:s4+s22] =	stream.strided.scatter [tilespmem:s21], [sflag:$0x1], $0xA000, s23, s22, $0x38;
	[tilespmem:$0x14280] =	vst v63  }
0x85: {  	s29 =	simm.s32 $0x0  }
0x86: {  	s0 =	sand.u32 $0xF000, s29;
	s1 =	sand.u32 $0x380, s29  }
0x87: {  	s30 =	sor.u32 s1, s0  }
0x88: {  	[tilespmem:s30+$0xAEF0] =	vst v0  }
0x89: {  	[tilespmem:s30+$0xA280] =	vst v0  }
0x8a: {  	[tilespmem:s30+$0xA290] =	vst v0  }
0x8b: {  	[tilespmem:s30+$0xA2A0] =	vst v0  }
0x8c: {  	[tilespmem:s30+$0xA2B0] =	vst v0  }
0x8d: {  	[tilespmem:s30+$0xA2C0] =	vst v0  }
0x8e: {  	[tilespmem:s30+$0xA2D0] =	vst v0  }
0x8f: {  	[tilespmem:s30+$0xA2E0] =	vst v0  }
0x90: {  	[tilespmem:s30+$0xA2F0] =	vst v0  }
0x91: {  	[tilespmem:s30+$0xA680] =	vst v0  }
0x92: {  	[tilespmem:s30+$0xA690] =	vst v0  }
0x93: {  	[tilespmem:s30+$0xA6A0] =	vst v0  }
0x94: {  	[tilespmem:s30+$0xA6B0] =	vst v0  }
0x95: {  	[tilespmem:s30+$0xA6C0] =	vst v0  }
0x96: {  	[tilespmem:s30+$0xA6D0] =	vst v0  }
0x97: {  	[tilespmem:s30+$0xA6E0] =	vst v0  }
0x98: {  	[tilespmem:s30+$0xA6F0] =	vst v0  }
0x99: {  	[tilespmem:s30+$0xAA80] =	vst v0  }
0x9a: {  	[tilespmem:s30+$0xAA90] =	vst v0  }
0x9b: {  	[tilespmem:s30+$0xAAA0] =	vst v0  }
0x9c: {  	[tilespmem:s30+$0xAAB0] =	vst v0  }
0x9d: {  	[tilespmem:s30+$0xAAC0] =	vst v0  }
0x9e: {  	[tilespmem:s30+$0xAAD0] =	vst v0  }
0x9f: {  	[tilespmem:s30+$0xAAE0] =	vst v0  }
0xa0: {  	[tilespmem:s30+$0xAAF0] =	vst v0  }
0xa1: {  	[tilespmem:s30+$0xAE80] =	vst v0  }
0xa2: {  	[tilespmem:s30+$0xAE90] =	vst v0  }
0xa3: {  	[tilespmem:s30+$0xAEA0] =	vst v0  }
0xa4: {  	[tilespmem:s30+$0xAEB0] =	vst v0  }
0xa5: {  	s3 =	simm.s32 $0x200;
	s31 =	simm.s32 $0x80;
	[tilespmem:s30+$0xAEC0] =	vst v0  }
0xa6: {  	s1 =	sand.u32 $0xF000, s3;
	s3 =	sand.u32 $0x380, s31;
	s0 =	simm.s32 $0x400;
	[tilespmem:s30+$0xAED0] =	vst v0  }
.LBB2_6:
0xa7: {  	p0 =	sne.s32 s0, $0x9E00;
	[tilespmem:s30+$0xAEE0] =	vst v0;
	s30 =	sor.u32 s3, s1  }
0xa8: {  	[tilespmem:s30+$0xAEF0] =	vst v0  }
0xa9: {  	[tilespmem:s30+$0xA280] =	vst v0  }
0xaa: {  	[tilespmem:s30+$0xA290] =	vst v0  }
0xab: {  	[tilespmem:s30+$0xA2A0] =	vst v0  }
0xac: {  	[tilespmem:s30+$0xA2B0] =	vst v0  }
0xad: {  	[tilespmem:s30+$0xA2C0] =	vst v0  }
0xae: {  	[tilespmem:s30+$0xA2D0] =	vst v0  }
0xaf: {  	[tilespmem:s30+$0xA2E0] =	vst v0  }
0xb0: {  	[tilespmem:s30+$0xA2F0] =	vst v0  }
0xb1: {  	[tilespmem:s30+$0xA680] =	vst v0  }
0xb2: {  	[tilespmem:s30+$0xA690] =	vst v0  }
0xb3: {  	[tilespmem:s30+$0xA6A0] =	vst v0  }
0xb4: {  	[tilespmem:s30+$0xA6B0] =	vst v0  }
0xb5: {  	[tilespmem:s30+$0xA6C0] =	vst v0  }
0xb6: {  	[tilespmem:s30+$0xA6D0] =	vst v0  }
0xb7: {  	[tilespmem:s30+$0xA6E0] =	vst v0  }
0xb8: {  	[tilespmem:s30+$0xA6F0] =	vst v0  }
0xb9: {  	[tilespmem:s30+$0xAA80] =	vst v0  }
0xba: {  	[tilespmem:s30+$0xAA90] =	vst v0  }
0xbb: {  	[tilespmem:s30+$0xAAA0] =	vst v0  }
0xbc: {  	[tilespmem:s30+$0xAAB0] =	vst v0  }
0xbd: {  	[tilespmem:s30+$0xAAC0] =	vst v0  }
0xbe: {  	[tilespmem:s30+$0xAAD0] =	vst v0  }
0xbf: {  	[tilespmem:s30+$0xAAE0] =	vst v0  }
0xc0: {  	[tilespmem:s30+$0xAAF0] =	vst v0  }
0xc1: {  	[tilespmem:s30+$0xAE80] =	vst v0  }
.Ltmp2:
0xc2: {  	[tilespmem:s30+$0xAE90] =	vst v0;
	(pc) =	sbr.rel @p0 .LBB2_6-.Ltmp2, $4  }
0xc3: {  	[tilespmem:s30+$0xAEA0] =	vst v0  }
0xc4: {  	[tilespmem:s30+$0xAEB0] =	vst v0  }
0xc5: {  	s31 =	sadd.s32 $0x80, s31;
	[tilespmem:s30+$0xAEC0] =	vst v0  }
0xc6: {  	s1 =	sand.u32 $0xF000, s0;
	s0 =	sadd.s32 $0x200, s0;
	s3 =	sand.u32 $0x380, s31;
	[tilespmem:s30+$0xAED0] =	vst v0  }
0xc7: {  	s0 =	sor.u32 s3, s1;
	[tilespmem:s30+$0xAEE0] =	vst v0  }
0xc8: {  	[tilespmem:s0+$0xAEF0] =	vst v0  }
0xc9: {  	[tilespmem:s0+$0xA280] =	vst v0  }
0xca: {  	[tilespmem:s0+$0xA290] =	vst v0  }
0xcb: {  	[tilespmem:s0+$0xA2A0] =	vst v0  }
0xcc: {  	[tilespmem:s0+$0xA2B0] =	vst v0  }
0xcd: {  	[tilespmem:s0+$0xA2C0] =	vst v0  }
0xce: {  	[tilespmem:s0+$0xA2D0] =	vst v0  }
0xcf: {  	[tilespmem:s0+$0xA2E0] =	vst v0  }
0xd0: {  	[tilespmem:s0+$0xA2F0] =	vst v0  }
0xd1: {  	[tilespmem:s0+$0xA680] =	vst v0  }
0xd2: {  	[tilespmem:s0+$0xA690] =	vst v0  }
0xd3: {  	[tilespmem:s0+$0xA6A0] =	vst v0  }
0xd4: {  	[tilespmem:s0+$0xA6B0] =	vst v0  }
0xd5: {  	[tilespmem:s0+$0xA6C0] =	vst v0  }
0xd6: {  	[tilespmem:s0+$0xA6D0] =	vst v0  }
0xd7: {  	[tilespmem:s0+$0xA6E0] =	vst v0  }
0xd8: {  	[tilespmem:s0+$0xA6F0] =	vst v0  }
0xd9: {  	[tilespmem:s0+$0xAA80] =	vst v0  }
0xda: {  	[tilespmem:s0+$0xAA90] =	vst v0  }
0xdb: {  	[tilespmem:s0+$0xAAA0] =	vst v0  }
0xdc: {  	[tilespmem:s0+$0xAAB0] =	vst v0  }
0xdd: {  	[tilespmem:s0+$0xAAC0] =	vst v0  }
0xde: {  	[tilespmem:s0+$0xAAD0] =	vst v0  }
0xdf: {  	[tilespmem:s0+$0xAAE0] =	vst v0  }
0xe0: {  	[tilespmem:s0+$0xAAF0] =	vst v0  }
0xe1: {  	[tilespmem:s0+$0xAE80] =	vst v0  }
0xe2: {  	[tilespmem:s0+$0xAE90] =	vst v0  }
0xe3: {  	[tilespmem:s0+$0xAEA0] =	vst v0  }
0xe4: {  	[tilespmem:s0+$0xAEB0] =	vst v0  }
0xe5: {  	[tilespmem:s0+$0xAEC0] =	vst v0  }
0xe6: {  	[tilespmem:s0+$0xAED0] =	vst v0  }
0xe7: {  	[tilespmem:s0+$0xAEE0] =	vst v0;
	s0 =	simm.s32 $0x0  }
.LBB2_8:
0xe8: {  	v3 =	vld [tilespmem:s29+$0x0];
	_ =	sdelay $0x7  }
0xe9: {  	v3 =	vld.idx.msk [tilespmem:v3+s20+$0x0], $0xffff;
	_ =	sdelay $0x4  }
0xea: {  	v3 =	vadd.s32 $0xFFFFFFB0, v3  }
0xeb: {  	v4 =	vmov s0;
	vm0 =	vlt.u32 v3, $0x50  }
0xec: {  	v5 =	vor.u32 s0, v1;
	v4 =	vshll.u32 v4, $0x3;
	v3 =	vnsel vm0, $0x0, v3  }
0xed: {  	v5 =	vand.u32 $0x7F, v5;
	v4 =	vand.u32 $0xC00, v4;
	v6 =	vshll.u32 v3, $0x9  }
0xee: {  	v4 =	vor.u32 v4, v5;
	v3 =	vshll.u32 v3, $0x7;
	v6 =	vand.u32 $0xFFFFF000, v6  }
0xef: {  	v3 =	vand.u32 $0x380, v3;
	v4 =	vor.u32 v6, v4  }
0xf0: {  	p0 =	sne.s32 s0, $0x1F0;
	v3 =	vor.u32 v3, v4  }
.Ltmp3:
0xf1: {  	_ = 	snop;
	(pc) =	sbr.rel @p0 .LBB2_8-.Ltmp3, $2  }
0xf2: {  	_ =	sdelay $0x2  }
0xf3: {  	s29 =	sadd.s32 $0x10, s29;
	s0 =	sadd.s32 $0x10, s0;
	[tilespmem:v3+s24+$0x0] =	vst.idx.msk vm0, v2  }
0xf4: {  	[hbm4b:s6+s22] =	stream.strided.scatter [tilespmem:s24], [sflag:$0x2], $0xA000, s23, s22, $0x38;
	[tilespmem:$0x14280] =	vst v63  }
0xf5: {  	_ =	swait.ge [sflag:s25], $0xA000  }
0xf6: {  	s0 =	simm.s32 $0x0;
	[sflag:s25] =	ssyncset.done $0x0  }
0xf7: {  	s29 =	simm.s32 $0x0;
	s30 =	simm.s32 $0x0;
	[sflag:s25] =	ssyncadd.s32 $0xFFFF6000  }
.LBB2_10:
0xf8: {  	v3 =	vld [tilespmem:s29+$0x0];
	_ =	sdelay $0x7  }
0xf9: {  	v3 =	vld.idx.msk [tilespmem:v3+s20+$0x0], $0xffff;
	_ =	sdelay $0x4  }
0xfa: {  	v4 =	vmov s30;
	vm0 =	vlt.u32 v3, $0x50  }
0xfb: {  	v5 =	vor.u32 s30, v1;
	v4 =	vshll.u32 v4, $0x3;
	v3 =	vnsel vm0, $0x0, v3  }
0xfc: {  	v5 =	vand.u32 $0x7F, v5;
	v4 =	vand.u32 $0xC00, v4;
	v6 =	vshll.u32 v3, $0x9  }
0xfd: {  	v4 =	vor.u32 v4, v5;
	v3 =	vshll.u32 v3, $0x7;
	v6 =	vand.u32 $0xFFFFF000, v6  }
0xfe: {  	v3 =	vand.u32 $0x380, v3;
	v4 =	vor.u32 v6, v4  }
0xff: {  	p0 =	sne.s32 s30, $0x1F0;
	v3 =	vor.u32 v3, v4  }
.Ltmp4:
0x100: {  	_ = 	snop;
	(pc) =	sbr.rel @p0 .LBB2_10-.Ltmp4, $2  }
0x101: {  	_ =	sdelay $0x2  }
0x102: {  	s29 =	sadd.s32 $0x10, s29;
	s30 =	sadd.s32 $0x10, s30;
	[tilespmem:v3+s21+$0x0] =	vst.idx.msk vm0, v0  }
0x103: {  	s29 =	simm.s32 $0x0  }
.LBB2_12:
0x104: {  	v3 =	vld [tilespmem:s0+$0x0];
	_ =	sdelay $0x7  }
0x105: {  	v3 =	vld.idx.msk [tilespmem:v3+s20+$0x0], $0xffff;
	_ =	sdelay $0x4  }
0x106: {  	v3 =	vadd.s32 $0xFFFFFF60, v3  }
0x107: {  	v4 =	vmov s29;
	vm0 =	vlt.u32 v3, $0x50  }
0x108: {  	v5 =	vor.u32 s29, v1;
	v4 =	vshll.u32 v4, $0x3;
	v3 =	vnsel vm0, $0x0, v3  }
0x109: {  	v5 =	vand.u32 $0x7F, v5;
	v4 =	vand.u32 $0xC00, v4;
	v6 =	vshll.u32 v3, $0x9  }
0x10a: {  	v4 =	vor.u32 v4, v5;
	v3 =	vshll.u32 v3, $0x7;
	v6 =	vand.u32 $0xFFFFF000, v6  }
0x10b: {  	v3 =	vand.u32 $0x380, v3;
	v4 =	vor.u32 v6, v4  }
0x10c: {  	p0 =	sne.s32 s29, $0x1F0;
	v3 =	vor.u32 v3, v4  }
.Ltmp5:
0x10d: {  	_ = 	snop;
	(pc) =	sbr.rel @p0 .LBB2_12-.Ltmp5, $2  }
0x10e: {  	_ =	sdelay $0x2  }
0x10f: {  	s0 =	sadd.s32 $0x10, s0;
	s29 =	sadd.s32 $0x10, s29;
	[tilespmem:v3+s21+$0x0] =	vst.idx.msk vm0, v2  }
0x110: {  	[hbm4b:s7+s22] =	stream.strided.scatter [tilespmem:s21], [sflag:$0x1], $0xA000, s23, s22, $0x38;
	[tilespmem:$0x14280] =	vst v63  }
0x111: {  	_ =	swait.ge [sflag:s26], $0xA000  }
0x112: {  	s0 =	simm.s32 $0x0;
	[sflag:s26] =	ssyncset.done $0x0  }
0x113: {  	s29 =	simm.s32 $0x0;
	s30 =	simm.s32 $0x0;
	[sflag:s26] =	ssyncadd.s32 $0xFFFF6000  }
.LBB2_14:
0x114: {  	v3 =	vld [tilespmem:s29+$0x0];
	_ =	sdelay $0x7  }
0x115: {  	v3 =	vld.idx.msk [tilespmem:v3+s20+$0x0], $0xffff;
	_ =	sdelay $0x4  }
0x116: {  	v3 =	vadd.s32 $0xFFFFFFB0, v3  }
0x117: {  	v4 =	vmov s30;
	vm0 =	vlt.u32 v3, $0x50  }
0x118: {  	v5 =	vor.u32 s30, v1;
	v4 =	vshll.u32 v4, $0x3;
	v3 =	vnsel vm0, $0x0, v3  }
0x119: {  	v5 =	vand.u32 $0x7F, v5;
	v4 =	vand.u32 $0xC00, v4;
	v6 =	vshll.u32 v3, $0x9  }
0x11a: {  	v4 =	vor.u32 v4, v5;
	v3 =	vshll.u32 v3, $0x7;
	v6 =	vand.u32 $0xFFFFF000, v6  }
0x11b: {  	v3 =	vand.u32 $0x380, v3;
	v4 =	vor.u32 v6, v4  }
0x11c: {  	p0 =	sne.s32 s30, $0x1F0;
	v3 =	vor.u32 v3, v4  }
.Ltmp6:
0x11d: {  	_ = 	snop;
	(pc) =	sbr.rel @p0 .LBB2_14-.Ltmp6, $2  }
0x11e: {  	_ =	sdelay $0x2  }
0x11f: {  	s29 =	sadd.s32 $0x10, s29;
	s30 =	sadd.s32 $0x10, s30;
	[tilespmem:v3+s24+$0x0] =	vst.idx.msk vm0, v0  }
0x120: {  	s29 =	simm.s32 $0x0  }
.LBB2_16:
0x121: {  	v3 =	vld [tilespmem:s0+$0x0];
	_ =	sdelay $0x7  }
0x122: {  	v3 =	vld.idx.msk [tilespmem:v3+s20+$0x0], $0xffff;
	_ =	sdelay $0x4  }
0x123: {  	v3 =	vadd.s32 $0xFFFFFF10, v3  }
0x124: {  	v4 =	vmov s29;
	vm0 =	vlt.u32 v3, $0x50  }
0x125: {  	v5 =	vor.u32 s29, v1;
	v4 =	vshll.u32 v4, $0x3;
	v3 =	vnsel vm0, $0x0, v3  }
0x126: {  	v5 =	vand.u32 $0x7F, v5;
	v4 =	vand.u32 $0xC00, v4;
	v6 =	vshll.u32 v3, $0x9  }
0x127: {  	v4 =	vor.u32 v4, v5;
	v3 =	vshll.u32 v3, $0x7;
	v6 =	vand.u32 $0xFFFFF000, v6  }
0x128: {  	v3 =	vand.u32 $0x380, v3;
	v4 =	vor.u32 v6, v4  }
0x129: {  	p0 =	sne.s32 s29, $0x1F0;
	v3 =	vor.u32 v3, v4  }
.Ltmp7:
0x12a: {  	_ = 	snop;
	(pc) =	sbr.rel @p0 .LBB2_16-.Ltmp7, $2  }
0x12b: {  	_ =	sdelay $0x2  }
0x12c: {  	s0 =	sadd.s32 $0x10, s0;
	s29 =	sadd.s32 $0x10, s29;
	[tilespmem:v3+s24+$0x0] =	vst.idx.msk vm0, v2  }
0x12d: {  	[hbm4b:s8+s22] =	stream.strided.scatter [tilespmem:s24], [sflag:$0x2], $0xA000, s23, s22, $0x38;
	[tilespmem:$0x14280] =	vst v63  }
0x12e: {  	_ =	swait.ge [sflag:s25], $0xA000  }
0x12f: {  	s0 =	simm.s32 $0x0;
	[sflag:s25] =	ssyncset.done $0x0  }
0x130: {  	s29 =	simm.s32 $0x0;
	s30 =	simm.s32 $0x0;
	[sflag:s25] =	ssyncadd.s32 $0xFFFF6000  }
.LBB2_18:
0x131: {  	v3 =	vld [tilespmem:s29+$0x0];
	_ =	sdelay $0x7  }
0x132: {  	v3 =	vld.idx.msk [tilespmem:v3+s20+$0x0], $0xffff;
	_ =	sdelay $0x4  }
0x133: {  	v3 =	vadd.s32 $0xFFFFFF60, v3  }
0x134: {  	v4 =	vmov s30;
	vm0 =	vlt.u32 v3, $0x50  }
0x135: {  	v5 =	vor.u32 s30, v1;
	v4 =	vshll.u32 v4, $0x3;
	v3 =	vnsel vm0, $0x0, v3  }
0x136: {  	v5 =	vand.u32 $0x7F, v5;
	v4 =	vand.u32 $0xC00, v4;
	v6 =	vshll.u32 v3, $0x9  }
0x137: {  	v4 =	vor.u32 v4, v5;
	v3 =	vshll.u32 v3, $0x7;
	v6 =	vand.u32 $0xFFFFF000, v6  }
0x138: {  	v3 =	vand.u32 $0x380, v3;
	v4 =	vor.u32 v6, v4  }
0x139: {  	p0 =	sne.s32 s30, $0x1F0;
	v3 =	vor.u32 v3, v4  }
.Ltmp8:
0x13a: {  	_ = 	snop;
	(pc) =	sbr.rel @p0 .LBB2_18-.Ltmp8, $2  }
0x13b: {  	_ =	sdelay $0x2  }
0x13c: {  	s29 =	sadd.s32 $0x10, s29;
	s30 =	sadd.s32 $0x10, s30;
	[tilespmem:v3+s21+$0x0] =	vst.idx.msk vm0, v0  }
0x13d: {  	s29 =	simm.s32 $0x0  }
.LBB2_20:
0x13e: {  	v3 =	vld [tilespmem:s0+$0x0];
	_ =	sdelay $0x7  }
0x13f: {  	v3 =	vld.idx.msk [tilespmem:v3+s20+$0x0], $0xffff;
	_ =	sdelay $0x4  }
0x140: {  	v3 =	vadd.s32 $0xFFFFFEC0, v3  }
0x141: {  	v4 =	vmov s29;
	vm0 =	vlt.u32 v3, $0x50  }
0x142: {  	v5 =	vor.u32 s29, v1;
	v4 =	vshll.u32 v4, $0x3;
	v3 =	vnsel vm0, $0x0, v3  }
0x143: {  	v5 =	vand.u32 $0x7F, v5;
	v4 =	vand.u32 $0xC00, v4;
	v6 =	vshll.u32 v3, $0x9  }
0x144: {  	v4 =	vor.u32 v4, v5;
	v3 =	vshll.u32 v3, $0x7;
	v6 =	vand.u32 $0xFFFFF000, v6  }
0x145: {  	v3 =	vand.u32 $0x380, v3;
	v4 =	vor.u32 v6, v4  }
0x146: {  	p0 =	sne.s32 s29, $0x1F0;
	v3 =	vor.u32 v3, v4  }
.Ltmp9:
0x147: {  	_ = 	snop;
	(pc) =	sbr.rel @p0 .LBB2_20-.Ltmp9, $2  }
0x148: {  	_ =	sdelay $0x2  }
0x149: {  	s0 =	sadd.s32 $0x10, s0;
	s29 =	sadd.s32 $0x10, s29;
	[tilespmem:v3+s21+$0x0] =	vst.idx.msk vm0, v2  }
0x14a: {  	[hbm4b:s9+s22] =	stream.strided.scatter [tilespmem:s21], [sflag:$0x1], $0xA000, s23, s22, $0x38;
	[tilespmem:$0x14280] =	vst v63  }
0x14b: {  	_ =	swait.ge [sflag:s26], $0xA000  }
0x14c: {  	s0 =	simm.s32 $0x0;
	[sflag:s26] =	ssyncset.done $0x0  }
0x14d: {  	s29 =	simm.s32 $0x0;
	s30 =	simm.s32 $0x0;
	[sflag:s26] =	ssyncadd.s32 $0xFFFF6000  }
.LBB2_22:
0x14e: {  	v3 =	vld [tilespmem:s29+$0x0];
	_ =	sdelay $0x7  }
0x14f: {  	v3 =	vld.idx.msk [tilespmem:v3+s20+$0x0], $0xffff;
	_ =	sdelay $0x4  }
0x150: {  	v3 =	vadd.s32 $0xFFFFFF10, v3  }
0x151: {  	v4 =	vmov s30;
	vm0 =	vlt.u32 v3, $0x50  }
0x152: {  	v5 =	vor.u32 s30, v1;
	v4 =	vshll.u32 v4, $0x3;
	v3 =	vnsel vm0, $0x0, v3  }
0x153: {  	v5 =	vand.u32 $0x7F, v5;
	v4 =	vand.u32 $0xC00, v4;
	v6 =	vshll.u32 v3, $0x9  }
0x154: {  	v4 =	vor.u32 v4, v5;
	v3 =	vshll.u32 v3, $0x7;
	v6 =	vand.u32 $0xFFFFF000, v6  }
0x155: {  	v3 =	vand.u32 $0x380, v3;
	v4 =	vor.u32 v6, v4  }
0x156: {  	p0 =	sne.s32 s30, $0x1F0;
	v3 =	vor.u32 v3, v4  }
.Ltmp10:
0x157: {  	_ = 	snop;
	(pc) =	sbr.rel @p0 .LBB2_22-.Ltmp10, $2  }
0x158: {  	_ =	sdelay $0x2  }
0x159: {  	s29 =	sadd.s32 $0x10, s29;
	s30 =	sadd.s32 $0x10, s30;
	[tilespmem:v3+s24+$0x0] =	vst.idx.msk vm0, v0  }
0x15a: {  	s29 =	simm.s32 $0x0  }
.LBB2_24:
0x15b: {  	v3 =	vld [tilespmem:s0+$0x0];
	_ =	sdelay $0x7  }
0x15c: {  	v3 =	vld.idx.msk [tilespmem:v3+s20+$0x0], $0xffff;
	_ =	sdelay $0x4  }
0x15d: {  	v3 =	vadd.s32 $0xFFFFFE70, v3  }
0x15e: {  	v4 =	vmov s29;
	vm0 =	vlt.u32 v3, $0x50  }
0x15f: {  	v5 =	vor.u32 s29, v1;
	v4 =	vshll.u32 v4, $0x3;
	v3 =	vnsel vm0, $0x0, v3  }
0x160: {  	v5 =	vand.u32 $0x7F, v5;
	v4 =	vand.u32 $0xC00, v4;
	v6 =	vshll.u32 v3, $0x9  }
0x161: {  	v4 =	vor.u32 v4, v5;
	v3 =	vshll.u32 v3, $0x7;
	v6 =	vand.u32 $0xFFFFF000, v6  }
0x162: {  	v3 =	vand.u32 $0x380, v3;
	v4 =	vor.u32 v6, v4  }
0x163: {  	p0 =	sne.s32 s29, $0x1F0;
	v3 =	vor.u32 v3, v4  }
.Ltmp11:
0x164: {  	_ = 	snop;
	(pc) =	sbr.rel @p0 .LBB2_24-.Ltmp11, $2  }
0x165: {  	_ =	sdelay $0x2  }
0x166: {  	s0 =	sadd.s32 $0x10, s0;
	s29 =	sadd.s32 $0x10, s29;
	[tilespmem:v3+s24+$0x0] =	vst.idx.msk vm0, v2  }
0x167: {  	[hbm4b:s10+s22] =	stream.strided.scatter [tilespmem:s24], [sflag:$0x2], $0xA000, s23, s22, $0x38;
	[tilespmem:$0x14280] =	vst v63  }
0x168: {  	_ =	swait.ge [sflag:s25], $0xA000  }
0x169: {  	s0 =	simm.s32 $0x0;
	[sflag:s25] =	ssyncset.done $0x0  }
0x16a: {  	s29 =	simm.s32 $0x0;
	s30 =	simm.s32 $0x0;
	[sflag:s25] =	ssyncadd.s32 $0xFFFF6000  }
.LBB2_26:
0x16b: {  	v3 =	vld [tilespmem:s29+$0x0];
	_ =	sdelay $0x7  }
0x16c: {  	v3 =	vld.idx.msk [tilespmem:v3+s20+$0x0], $0xffff;
	_ =	sdelay $0x4  }
0x16d: {  	v3 =	vadd.s32 $0xFFFFFEC0, v3  }
0x16e: {  	v4 =	vmov s30;
	vm0 =	vlt.u32 v3, $0x50  }
0x16f: {  	v5 =	vor.u32 s30, v1;
	v4 =	vshll.u32 v4, $0x3;
	v3 =	vnsel vm0, $0x0, v3  }
0x170: {  	v5 =	vand.u32 $0x7F, v5;
	v4 =	vand.u32 $0xC00, v4;
	v6 =	vshll.u32 v3, $0x9  }
0x171: {  	v4 =	vor.u32 v4, v5;
	v3 =	vshll.u32 v3, $0x7;
	v6 =	vand.u32 $0xFFFFF000, v6  }
0x172: {  	v3 =	vand.u32 $0x380, v3;
	v4 =	vor.u32 v6, v4  }
0x173: {  	p0 =	sne.s32 s30, $0x1F0;
	v3 =	vor.u32 v3, v4  }
.Ltmp12:
0x174: {  	_ = 	snop;
	(pc) =	sbr.rel @p0 .LBB2_26-.Ltmp12, $2  }
0x175: {  	_ =	sdelay $0x2  }
0x176: {  	s29 =	sadd.s32 $0x10, s29;
	s30 =	sadd.s32 $0x10, s30;
	[tilespmem:v3+s21+$0x0] =	vst.idx.msk vm0, v0  }
0x177: {  	s29 =	simm.s32 $0x0  }
.LBB2_28:
0x178: {  	v3 =	vld [tilespmem:s0+$0x0];
	_ =	sdelay $0x7  }
0x179: {  	v3 =	vld.idx.msk [tilespmem:v3+s20+$0x0], $0xffff;
	_ =	sdelay $0x4  }
0x17a: {  	v3 =	vadd.s32 $0xFFFFFE20, v3  }
0x17b: {  	v4 =	vmov s29;
	vm0 =	vlt.u32 v3, $0x50  }
0x17c: {  	v5 =	vor.u32 s29, v1;
	v4 =	vshll.u32 v4, $0x3;
	v3 =	vnsel vm0, $0x0, v3  }
0x17d: {  	v5 =	vand.u32 $0x7F, v5;
	v4 =	vand.u32 $0xC00, v4;
	v6 =	vshll.u32 v3, $0x9  }
0x17e: {  	v4 =	vor.u32 v4, v5;
	v3 =	vshll.u32 v3, $0x7;
	v6 =	vand.u32 $0xFFFFF000, v6  }
0x17f: {  	v3 =	vand.u32 $0x380, v3;
	v4 =	vor.u32 v6, v4  }
0x180: {  	p0 =	sne.s32 s29, $0x1F0;
	v3 =	vor.u32 v3, v4  }
.Ltmp13:
0x181: {  	_ = 	snop;
	(pc) =	sbr.rel @p0 .LBB2_28-.Ltmp13, $2  }
0x182: {  	_ =	sdelay $0x2  }
0x183: {  	s0 =	sadd.s32 $0x10, s0;
	s29 =	sadd.s32 $0x10, s29;
	[tilespmem:v3+s21+$0x0] =	vst.idx.msk vm0, v2  }
0x184: {  	[hbm4b:s11+s22] =	stream.strided.scatter [tilespmem:s21], [sflag:$0x1], $0xA000, s23, s22, $0x38;
	[tilespmem:$0x14280] =	vst v63  }
0x185: {  	_ =	swait.ge [sflag:s26], $0xA000  }
0x186: {  	s0 =	simm.s32 $0x0;
	[sflag:s26] =	ssyncset.done $0x0  }
0x187: {  	s29 =	simm.s32 $0x0;
	s30 =	simm.s32 $0x0;
	[sflag:s26] =	ssyncadd.s32 $0xFFFF6000  }
.LBB2_30:
0x188: {  	v3 =	vld [tilespmem:s29+$0x0];
	_ =	sdelay $0x7  }
0x189: {  	v3 =	vld.idx.msk [tilespmem:v3+s20+$0x0], $0xffff;
	_ =	sdelay $0x4  }
0x18a: {  	v3 =	vadd.s32 $0xFFFFFE70, v3  }
0x18b: {  	v4 =	vmov s30;
	vm0 =	vlt.u32 v3, $0x50  }
0x18c: {  	v5 =	vor.u32 s30, v1;
	v4 =	vshll.u32 v4, $0x3;
	v3 =	vnsel vm0, $0x0, v3  }
0x18d: {  	v5 =	vand.u32 $0x7F, v5;
	v4 =	vand.u32 $0xC00, v4;
	v6 =	vshll.u32 v3, $0x9  }
0x18e: {  	v4 =	vor.u32 v4, v5;
	v3 =	vshll.u32 v3, $0x7;
	v6 =	vand.u32 $0xFFFFF000, v6  }
0x18f: {  	v3 =	vand.u32 $0x380, v3;
	v4 =	vor.u32 v6, v4  }
0x190: {  	p0 =	sne.s32 s30, $0x1F0;
	v3 =	vor.u32 v3, v4  }
.Ltmp14:
0x191: {  	_ = 	snop;
	(pc) =	sbr.rel @p0 .LBB2_30-.Ltmp14, $2  }
0x192: {  	_ =	sdelay $0x2  }
0x193: {  	s29 =	sadd.s32 $0x10, s29;
	s30 =	sadd.s32 $0x10, s30;
	[tilespmem:v3+s24+$0x0] =	vst.idx.msk vm0, v0  }
0x194: {  	s29 =	simm.s32 $0x0  }
.LBB2_32:
0x195: {  	v3 =	vld [tilespmem:s0+$0x0];
	_ =	sdelay $0x7  }
0x196: {  	v3 =	vld.idx.msk [tilespmem:v3+s20+$0x0], $0xffff;
	_ =	sdelay $0x4  }
0x197: {  	v3 =	vadd.s32 $0xFFFFFDD0, v3  }
0x198: {  	v4 =	vmov s29;
	vm0 =	vlt.u32 v3, $0x50  }
0x199: {  	v5 =	vor.u32 s29, v1;
	v4 =	vshll.u32 v4, $0x3;
	v3 =	vnsel vm0, $0x0, v3  }
0x19a: {  	v5 =	vand.u32 $0x7F, v5;
	v4 =	vand.u32 $0xC00, v4;
	v6 =	vshll.u32 v3, $0x9  }
0x19b: {  	v4 =	vor.u32 v4, v5;
	v3 =	vshll.u32 v3, $0x7;
	v6 =	vand.u32 $0xFFFFF000, v6  }
0x19c: {  	v3 =	vand.u32 $0x380, v3;
	v4 =	vor.u32 v6, v4  }
0x19d: {  	p0 =	sne.s32 s29, $0x1F0;
	v3 =	vor.u32 v3, v4  }
.Ltmp15:
0x19e: {  	_ = 	snop;
	(pc) =	sbr.rel @p0 .LBB2_32-.Ltmp15, $2  }
0x19f: {  	_ =	sdelay $0x2  }
0x1a0: {  	s0 =	sadd.s32 $0x10, s0;
	s29 =	sadd.s32 $0x10, s29;
	[tilespmem:v3+s24+$0x0] =	vst.idx.msk vm0, v2  }
0x1a1: {  	[hbm4b:s12+s22] =	stream.strided.scatter [tilespmem:s24], [sflag:$0x2], $0xA000, s23, s22, $0x38;
	[tilespmem:$0x14280] =	vst v63  }
0x1a2: {  	_ =	swait.ge [sflag:s25], $0xA000  }
0x1a3: {  	s0 =	simm.s32 $0x0;
	[sflag:s25] =	ssyncset.done $0x0  }
0x1a4: {  	s29 =	simm.s32 $0x0;
	s30 =	simm.s32 $0x0;
	[sflag:s25] =	ssyncadd.s32 $0xFFFF6000  }
.LBB2_34:
0x1a5: {  	v3 =	vld [tilespmem:s29+$0x0];
	_ =	sdelay $0x7  }
0x1a6: {  	v3 =	vld.idx.msk [tilespmem:v3+s20+$0x0], $0xffff;
	_ =	sdelay $0x4  }
0x1a7: {  	v3 =	vadd.s32 $0xFFFFFE20, v3  }
0x1a8: {  	v4 =	vmov s30;
	vm0 =	vlt.u32 v3, $0x50  }
0x1a9: {  	v5 =	vor.u32 s30, v1;
	v4 =	vshll.u32 v4, $0x3;
	v3 =	vnsel vm0, $0x0, v3  }
0x1aa: {  	v5 =	vand.u32 $0x7F, v5;
	v4 =	vand.u32 $0xC00, v4;
	v6 =	vshll.u32 v3, $0x9  }
0x1ab: {  	v4 =	vor.u32 v4, v5;
	v3 =	vshll.u32 v3, $0x7;
	v6 =	vand.u32 $0xFFFFF000, v6  }
0x1ac: {  	v3 =	vand.u32 $0x380, v3;
	v4 =	vor.u32 v6, v4  }
0x1ad: {  	p0 =	sne.s32 s30, $0x1F0;
	v3 =	vor.u32 v3, v4  }
.Ltmp16:
0x1ae: {  	_ = 	snop;
	(pc) =	sbr.rel @p0 .LBB2_34-.Ltmp16, $2  }
0x1af: {  	_ =	sdelay $0x2  }
0x1b0: {  	s29 =	sadd.s32 $0x10, s29;
	s30 =	sadd.s32 $0x10, s30;
	[tilespmem:v3+s21+$0x0] =	vst.idx.msk vm0, v0  }
0x1b1: {  	s29 =	simm.s32 $0x0  }
.LBB2_36:
0x1b2: {  	v3 =	vld [tilespmem:s0+$0x0];
	_ =	sdelay $0x7  }
0x1b3: {  	v3 =	vld.idx.msk [tilespmem:v3+s20+$0x0], $0xffff;
	_ =	sdelay $0x4  }
0x1b4: {  	v3 =	vadd.s32 $0xFFFFFD80, v3  }
0x1b5: {  	v4 =	vmov s29;
	vm0 =	vlt.u32 v3, $0x50  }
0x1b6: {  	v5 =	vor.u32 s29, v1;
	v4 =	vshll.u32 v4, $0x3;
	v3 =	vnsel vm0, $0x0, v3  }
0x1b7: {  	v5 =	vand.u32 $0x7F, v5;
	v4 =	vand.u32 $0xC00, v4;
	v6 =	vshll.u32 v3, $0x9  }
0x1b8: {  	v4 =	vor.u32 v4, v5;
	v3 =	vshll.u32 v3, $0x7;
	v6 =	vand.u32 $0xFFFFF000, v6  }
0x1b9: {  	v3 =	vand.u32 $0x380, v3;
	v4 =	vor.u32 v6, v4  }
0x1ba: {  	p0 =	sne.s32 s29, $0x1F0;
	v3 =	vor.u32 v3, v4  }
.Ltmp17:
0x1bb: {  	_ = 	snop;
	(pc) =	sbr.rel @p0 .LBB2_36-.Ltmp17, $2  }
0x1bc: {  	_ =	sdelay $0x2  }
0x1bd: {  	s0 =	sadd.s32 $0x10, s0;
	s29 =	sadd.s32 $0x10, s29;
	[tilespmem:v3+s21+$0x0] =	vst.idx.msk vm0, v2  }
0x1be: {  	[hbm4b:s13+s22] =	stream.strided.scatter [tilespmem:s21], [sflag:$0x1], $0xA000, s23, s22, $0x38;
	[tilespmem:$0x14280] =	vst v63  }
0x1bf: {  	_ =	swait.ge [sflag:s26], $0xA000  }
0x1c0: {  	s0 =	simm.s32 $0x0;
	[sflag:s26] =	ssyncset.done $0x0  }
0x1c1: {  	s29 =	simm.s32 $0x0;
	s30 =	simm.s32 $0x0;
	[sflag:s26] =	ssyncadd.s32 $0xFFFF6000  }
.LBB2_38:
0x1c2: {  	v3 =	vld [tilespmem:s29+$0x0];
	_ =	sdelay $0x7  }
0x1c3: {  	v3 =	vld.idx.msk [tilespmem:v3+s20+$0x0], $0xffff;
	_ =	sdelay $0x4  }
0x1c4: {  	v3 =	vadd.s32 $0xFFFFFDD0, v3  }
0x1c5: {  	v4 =	vmov s30;
	vm0 =	vlt.u32 v3, $0x50  }
0x1c6: {  	v5 =	vor.u32 s30, v1;
	v4 =	vshll.u32 v4, $0x3;
	v3 =	vnsel vm0, $0x0, v3  }
0x1c7: {  	v5 =	vand.u32 $0x7F, v5;
	v4 =	vand.u32 $0xC00, v4;
	v6 =	vshll.u32 v3, $0x9  }
0x1c8: {  	v4 =	vor.u32 v4, v5;
	v3 =	vshll.u32 v3, $0x7;
	v6 =	vand.u32 $0xFFFFF000, v6  }
0x1c9: {  	v3 =	vand.u32 $0x380, v3;
	v4 =	vor.u32 v6, v4  }
0x1ca: {  	p0 =	sne.s32 s30, $0x1F0;
	v3 =	vor.u32 v3, v4  }
.Ltmp18:
0x1cb: {  	_ = 	snop;
	(pc) =	sbr.rel @p0 .LBB2_38-.Ltmp18, $2  }
0x1cc: {  	_ =	sdelay $0x2  }
0x1cd: {  	s29 =	sadd.s32 $0x10, s29;
	s30 =	sadd.s32 $0x10, s30;
	[tilespmem:v3+s24+$0x0] =	vst.idx.msk vm0, v0  }
0x1ce: {  	s29 =	simm.s32 $0x0  }
.LBB2_40:
0x1cf: {  	v3 =	vld [tilespmem:s0+$0x0];
	_ =	sdelay $0x7  }
0x1d0: {  	v3 =	vld.idx.msk [tilespmem:v3+s20+$0x0], $0xffff;
	_ =	sdelay $0x4  }
0x1d1: {  	v3 =	vadd.s32 $0xFFFFFD30, v3  }
0x1d2: {  	v4 =	vmov s29;
	vm0 =	vlt.u32 v3, $0x50  }
0x1d3: {  	v5 =	vor.u32 s29, v1;
	v4 =	vshll.u32 v4, $0x3;
	v3 =	vnsel vm0, $0x0, v3  }
0x1d4: {  	v5 =	vand.u32 $0x7F, v5;
	v4 =	vand.u32 $0xC00, v4;
	v6 =	vshll.u32 v3, $0x9  }
0x1d5: {  	v4 =	vor.u32 v4, v5;
	v3 =	vshll.u32 v3, $0x7;
	v6 =	vand.u32 $0xFFFFF000, v6  }
0x1d6: {  	v3 =	vand.u32 $0x380, v3;
	v4 =	vor.u32 v6, v4  }
0x1d7: {  	p0 =	sne.s32 s29, $0x1F0;
	v3 =	vor.u32 v3, v4  }
.Ltmp19:
0x1d8: {  	_ = 	snop;
	(pc) =	sbr.rel @p0 .LBB2_40-.Ltmp19, $2  }
0x1d9: {  	_ =	sdelay $0x2  }
0x1da: {  	s0 =	sadd.s32 $0x10, s0;
	s29 =	sadd.s32 $0x10, s29;
	[tilespmem:v3+s24+$0x0] =	vst.idx.msk vm0, v2  }
0x1db: {  	[hbm4b:s14+s22] =	stream.strided.scatter [tilespmem:s24], [sflag:$0x2], $0xA000, s23, s22, $0x38;
	[tilespmem:$0x14280] =	vst v63  }
0x1dc: {  	_ =	swait.ge [sflag:s25], $0xA000  }
0x1dd: {  	s0 =	simm.s32 $0x0;
	[sflag:s25] =	ssyncset.done $0x0  }
0x1de: {  	s29 =	simm.s32 $0x0;
	s30 =	simm.s32 $0x0;
	[sflag:s25] =	ssyncadd.s32 $0xFFFF6000  }
.LBB2_42:
0x1df: {  	v3 =	vld [tilespmem:s29+$0x0];
	_ =	sdelay $0x7  }
0x1e0: {  	v3 =	vld.idx.msk [tilespmem:v3+s20+$0x0], $0xffff;
	_ =	sdelay $0x4  }
0x1e1: {  	v3 =	vadd.s32 $0xFFFFFD80, v3  }
0x1e2: {  	v4 =	vmov s30;
	vm0 =	vlt.u32 v3, $0x50  }
0x1e3: {  	v5 =	vor.u32 s30, v1;
	v4 =	vshll.u32 v4, $0x3;
	v3 =	vnsel vm0, $0x0, v3  }
0x1e4: {  	v5 =	vand.u32 $0x7F, v5;
	v4 =	vand.u32 $0xC00, v4;
	v6 =	vshll.u32 v3, $0x9  }
0x1e5: {  	v4 =	vor.u32 v4, v5;
	v3 =	vshll.u32 v3, $0x7;
	v6 =	vand.u32 $0xFFFFF000, v6  }
0x1e6: {  	v3 =	vand.u32 $0x380, v3;
	v4 =	vor.u32 v6, v4  }
0x1e7: {  	p0 =	sne.s32 s30, $0x1F0;
	v3 =	vor.u32 v3, v4  }
.Ltmp20:
0x1e8: {  	_ = 	snop;
	(pc) =	sbr.rel @p0 .LBB2_42-.Ltmp20, $2  }
0x1e9: {  	_ =	sdelay $0x2  }
0x1ea: {  	s29 =	sadd.s32 $0x10, s29;
	s30 =	sadd.s32 $0x10, s30;
	[tilespmem:v3+s21+$0x0] =	vst.idx.msk vm0, v0  }
0x1eb: {  	s29 =	simm.s32 $0x0  }
.LBB2_44:
0x1ec: {  	v3 =	vld [tilespmem:s0+$0x0];
	_ =	sdelay $0x7  }
0x1ed: {  	v3 =	vld.idx.msk [tilespmem:v3+s20+$0x0], $0xffff;
	_ =	sdelay $0x4  }
0x1ee: {  	v3 =	vadd.s32 $0xFFFFFCE0, v3  }
0x1ef: {  	v4 =	vmov s29;
	vm0 =	vlt.u32 v3, $0x50  }
0x1f0: {  	v5 =	vor.u32 s29, v1;
	v4 =	vshll.u32 v4, $0x3;
	v3 =	vnsel vm0, $0x0, v3  }
0x1f1: {  	v5 =	vand.u32 $0x7F, v5;
	v4 =	vand.u32 $0xC00, v4;
	v6 =	vshll.u32 v3, $0x9  }
0x1f2: {  	v4 =	vor.u32 v4, v5;
	v3 =	vshll.u32 v3, $0x7;
	v6 =	vand.u32 $0xFFFFF000, v6  }
0x1f3: {  	v3 =	vand.u32 $0x380, v3;
	v4 =	vor.u32 v6, v4  }
0x1f4: {  	p0 =	sne.s32 s29, $0x1F0;
	v3 =	vor.u32 v3, v4  }
.Ltmp21:
0x1f5: {  	_ = 	snop;
	(pc) =	sbr.rel @p0 .LBB2_44-.Ltmp21, $2  }
0x1f6: {  	_ =	sdelay $0x2  }
0x1f7: {  	s0 =	sadd.s32 $0x10, s0;
	s29 =	sadd.s32 $0x10, s29;
	[tilespmem:v3+s21+$0x0] =	vst.idx.msk vm0, v2  }
0x1f8: {  	[hbm4b:s15+s22] =	stream.strided.scatter [tilespmem:s21], [sflag:$0x1], $0xA000, s23, s22, $0x38;
	[tilespmem:$0x14280] =	vst v63  }
0x1f9: {  	_ =	swait.ge [sflag:s26], $0xA000  }
0x1fa: {  	s0 =	simm.s32 $0x0;
	[sflag:s26] =	ssyncset.done $0x0  }
0x1fb: {  	s29 =	simm.s32 $0x0;
	s30 =	simm.s32 $0x0;
	[sflag:s26] =	ssyncadd.s32 $0xFFFF6000  }
.LBB2_46:
0x1fc: {  	v3 =	vld [tilespmem:s29+$0x0];
	_ =	sdelay $0x7  }
0x1fd: {  	v3 =	vld.idx.msk [tilespmem:v3+s20+$0x0], $0xffff;
	_ =	sdelay $0x4  }
0x1fe: {  	v3 =	vadd.s32 $0xFFFFFD30, v3  }
0x1ff: {  	v4 =	vmov s30;
	vm0 =	vlt.u32 v3, $0x50  }
0x200: {  	v5 =	vor.u32 s30, v1;
	v4 =	vshll.u32 v4, $0x3;
	v3 =	vnsel vm0, $0x0, v3  }
0x201: {  	v5 =	vand.u32 $0x7F, v5;
	v4 =	vand.u32 $0xC00, v4;
	v6 =	vshll.u32 v3, $0x9  }
0x202: {  	v4 =	vor.u32 v4, v5;
	v3 =	vshll.u32 v3, $0x7;
	v6 =	vand.u32 $0xFFFFF000, v6  }
0x203: {  	v3 =	vand.u32 $0x380, v3;
	v4 =	vor.u32 v6, v4  }
0x204: {  	p0 =	sne.s32 s30, $0x1F0;
	v3 =	vor.u32 v3, v4  }
.Ltmp22:
0x205: {  	_ = 	snop;
	(pc) =	sbr.rel @p0 .LBB2_46-.Ltmp22, $2  }
0x206: {  	_ =	sdelay $0x2  }
0x207: {  	s29 =	sadd.s32 $0x10, s29;
	s30 =	sadd.s32 $0x10, s30;
	[tilespmem:v3+s24+$0x0] =	vst.idx.msk vm0, v0  }
0x208: {  	s29 =	simm.s32 $0x0  }
.LBB2_48:
0x209: {  	v3 =	vld [tilespmem:s0+$0x0];
	_ =	sdelay $0x7  }
0x20a: {  	v3 =	vld.idx.msk [tilespmem:v3+s20+$0x0], $0xffff;
	_ =	sdelay $0x4  }
0x20b: {  	v3 =	vadd.s32 $0xFFFFFC90, v3  }
0x20c: {  	v4 =	vmov s29;
	vm0 =	vlt.u32 v3, $0x50  }
0x20d: {  	v5 =	vor.u32 s29, v1;
	v4 =	vshll.u32 v4, $0x3;
	v3 =	vnsel vm0, $0x0, v3  }
0x20e: {  	v5 =	vand.u32 $0x7F, v5;
	v4 =	vand.u32 $0xC00, v4;
	v6 =	vshll.u32 v3, $0x9  }
0x20f: {  	v4 =	vor.u32 v4, v5;
	v3 =	vshll.u32 v3, $0x7;
	v6 =	vand.u32 $0xFFFFF000, v6  }
0x210: {  	v3 =	vand.u32 $0x380, v3;
	v4 =	vor.u32 v6, v4  }
0x211: {  	p0 =	sne.s32 s29, $0x1F0;
	v3 =	vor.u32 v3, v4  }
.Ltmp23:
0x212: {  	_ = 	snop;
	(pc) =	sbr.rel @p0 .LBB2_48-.Ltmp23, $2  }
0x213: {  	_ =	sdelay $0x2  }
0x214: {  	s0 =	sadd.s32 $0x10, s0;
	s29 =	sadd.s32 $0x10, s29;
	[tilespmem:v3+s24+$0x0] =	vst.idx.msk vm0, v2  }
0x215: {  	[hbm4b:s16+s22] =	stream.strided.scatter [tilespmem:s24], [sflag:$0x2], $0xA000, s23, s22, $0x38;
	[tilespmem:$0x14280] =	vst v63  }
0x216: {  	_ =	swait.ge [sflag:s25], $0xA000  }
0x217: {  	s0 =	simm.s32 $0x0;
	[sflag:s25] =	ssyncset.done $0x0  }
0x218: {  	s29 =	simm.s32 $0x0;
	s30 =	simm.s32 $0x0;
	[sflag:s25] =	ssyncadd.s32 $0xFFFF6000  }
.LBB2_50:
0x219: {  	v3 =	vld [tilespmem:s29+$0x0];
	_ =	sdelay $0x7  }
0x21a: {  	v3 =	vld.idx.msk [tilespmem:v3+s20+$0x0], $0xffff;
	_ =	sdelay $0x4  }
0x21b: {  	v3 =	vadd.s32 $0xFFFFFCE0, v3  }
0x21c: {  	v4 =	vmov s30;
	vm0 =	vlt.u32 v3, $0x50  }
0x21d: {  	v5 =	vor.u32 s30, v1;
	v4 =	vshll.u32 v4, $0x3;
	v3 =	vnsel vm0, $0x0, v3  }
0x21e: {  	v5 =	vand.u32 $0x7F, v5;
	v4 =	vand.u32 $0xC00, v4;
	v6 =	vshll.u32 v3, $0x9  }
0x21f: {  	v4 =	vor.u32 v4, v5;
	v3 =	vshll.u32 v3, $0x7;
	v6 =	vand.u32 $0xFFFFF000, v6  }
0x220: {  	v3 =	vand.u32 $0x380, v3;
	v4 =	vor.u32 v6, v4  }
0x221: {  	p0 =	sne.s32 s30, $0x1F0;
	v3 =	vor.u32 v3, v4  }
.Ltmp24:
0x222: {  	_ = 	snop;
	(pc) =	sbr.rel @p0 .LBB2_50-.Ltmp24, $2  }
0x223: {  	_ =	sdelay $0x2  }
0x224: {  	s29 =	sadd.s32 $0x10, s29;
	s30 =	sadd.s32 $0x10, s30;
	[tilespmem:v3+s21+$0x0] =	vst.idx.msk vm0, v0  }
0x225: {  	s29 =	simm.s32 $0x0  }
.LBB2_52:
0x226: {  	v3 =	vld [tilespmem:s0+$0x0];
	_ =	sdelay $0x7  }
0x227: {  	v3 =	vld.idx.msk [tilespmem:v3+s20+$0x0], $0xffff;
	_ =	sdelay $0x4  }
0x228: {  	v3 =	vadd.s32 $0xFFFFFC40, v3  }
0x229: {  	v4 =	vmov s29;
	vm0 =	vlt.u32 v3, $0x28  }
0x22a: {  	v5 =	vor.u32 s29, v1;
	v4 =	vshll.u32 v4, $0x3;
	v3 =	vnsel vm0, $0x0, v3  }
0x22b: {  	v5 =	vand.u32 $0x7F, v5;
	v4 =	vand.u32 $0xC00, v4;
	v6 =	vshll.u32 v3, $0x9  }
0x22c: {  	v4 =	vor.u32 v4, v5;
	v3 =	vshll.u32 v3, $0x7;
	v6 =	vand.u32 $0xFFFFF000, v6  }
0x22d: {  	v3 =	vand.u32 $0x380, v3;
	v4 =	vor.u32 v6, v4  }
0x22e: {  	p0 =	sne.s32 s29, $0x1F0;
	v3 =	vor.u32 v3, v4  }
.Ltmp25:
0x22f: {  	_ = 	snop;
	(pc) =	sbr.rel @p0 .LBB2_52-.Ltmp25, $2  }
0x230: {  	_ =	sdelay $0x2  }
0x231: {  	s0 =	sadd.s32 $0x10, s0;
	s29 =	sadd.s32 $0x10, s29;
	[tilespmem:v3+s21+$0x0] =	vst.idx.msk vm0, v2  }
0x232: {  	[hbm4b:s17+s22] =	stream.strided.scatter [tilespmem:s21], [sflag:$0x1], $0x5000, s23, s22, $0x38;
	[tilespmem:$0x14280] =	vst v63  }
0x233: {  	s28 =	sadd.s32 $0x1, s28  }
0x234: {  	_ =	swait.ge [sflag:s25], $0x5000;
	p0 =	sne.s32 s28, s18  }
.Ltmp26:
0x235: {  	[sflag:s25] =	ssyncset.done $0x0;
	(pc) =	sbr.rel @p0 .LBB2_1-.Ltmp26, $4  }
0x236: {  	[sflag:s25] =	ssyncadd.s32 $0xFFFFB000  }
0x237: {  	_ =	swait.ge [sflag:s26], $0xA000  }
0x238: {  	[sflag:s26] =	ssyncset.done $0x0  }
0x239: {  	[sflag:s26] =	ssyncadd.s32 $0xFFFF6000  }
0x23a: {  	_ =	sfence.sel $0x180000  }
0x23b: {  	[bflag:$0x0] =	sbarrier.arrive $0xFFFF  }
0x23c: {  	_ =	strace $0x90000047  }
0x23d: {  	s0 =	stileid.u32;
	[bflag:$0x2] =	sbarrier.arrive $0xFFFF  }
0x23e: {  	p0 =	sne.s32 s0, $0x0;
	s0 =	rddreg [dreg:$0x3]  }
0x23f: {  	s0 =	sadd.s32 @!p0 $0x100000, s0  }
0x240: {  	[sflag:s0] =	ssyncadd.tile.s32 @!p0 $0x1;
	_ =	shalt  }
.Lfunc_end2:
_tile_overlayer_lowered:
.L_overlay_start_2:
0x241: {  	(tag) =	ssettag $0x2  }
0x242: {  	s0 =	rddreg [dreg:$0x0];
	s2 =	stileid.u32  }
0x243: {  	s1 =	rddreg [dreg:$0x1];
	p0 =	sne.s32 s2, $0x0  }
0x244: {  	s3 =	rddreg [dreg:$0x2];
	[bflag:$0x3] =	sbarrier.arrive $0xFFFF;
	s2 =	simm.s32 @!p0 $0x1C03  }
0x245: {  	[timem:s3], [sflag:s2] =	dma.local @!p0 [hbm:s0], s1  }
0x246: {  	s0 =	simm.s32 @!p0 $0x3  }
0x247: {  	_ =	swait.ge @!p0 [sflag:s0], s1  }
0x248: {  	s1 =	ssub.s32 @!p0 $0x0, s1;
	[sflag:s0] =	ssyncset.done @!p0 $0x0  }
0x249: {  	[sflag:s0] =	ssyncadd.s32 @!p0 s1  }
0x24a: {  	[bflag:$0x3] =	sbarrier.arrive $0xFFFF  }
0x24b: {  	_ =	shalt  }

</sc_bundles>
